<compile_context>
chip_gen: v7x
topology: tpu7x:2x2x1
jax: 0.10.2.dev20260603
libtpu: 0.0.44.dev20260713+nightly
codegen_flags: <defaults>
</compile_context>

<pallas_src>
import functools

import jax
import jax.numpy as jnp
from jax import lax
from jax.experimental import pallas as pl
from jax.experimental.pallas import tpu as pltpu
from jax.experimental.pallas import tpu_sc as plsc

T = 50
TPAD = 64
NSTATS = 14
B = 16384
NC, NS, L = 2, 16, 16
NW = NC * NS
BPW = B // NW
GROUPS = BPW // L


def _rsqrt(v):
    bits = lax.bitcast_convert_type(v, jnp.int32)
    y = lax.bitcast_convert_type(
        jnp.int32(0x5F3759DF) - (bits >> 1), jnp.float32)
    for _ in range(3):
        y = y * (1.5 - 0.5 * v * y * y)
    return y


def _sqrt(v):
    return v * _rsqrt(v)


_mesh = plsc.VectorSubcoreMesh(core_axis_name="c", subcore_axis_name="s")


@functools.partial(
    pl.kernel,
    mesh=_mesh,
    out_type=jax.ShapeDtypeStruct((NSTATS, B), jnp.float32),
    scratch_types=[
        pltpu.VMEM((TPAD,), jnp.float32),
        pltpu.VMEM((BPW,), jnp.int32),
        pltpu.VMEM((NSTATS * TPAD,), jnp.float32),
        pltpu.VMEM((NSTATS * BPW,), jnp.float32),
        pltpu.SemaphoreType.DMA,
    ],
    compiler_params=pltpu.CompilerParams(needs_layout_passes=False),
)
def _sc_lookup(ab_hbm, t_hbm, out_hbm, ab_v, t_v, stats_v, out_v, sem):
    wid = lax.axis_index("s") * NC + lax.axis_index("c")
    base = wid * BPW

    pltpu.sync_copy(ab_hbm, ab_v)
    pltpu.sync_copy(t_hbm.at[pl.ds(base, BPW)], t_v)

    for g in range(TPAD // L):
        gidx = lax.iota(jnp.int32, L) + (g * L)
        x = ab_v[pl.ds(g * L, L)]
        xp = plsc.load_gather(ab_v, [jnp.maximum(gidx - 1, 0)])
        xm = plsc.load_gather(ab_v, [jnp.maximum(gidx, 1)])
        alpha = jnp.where(gidx == 0, x, x / xp)
        beta = 1.0 - alpha
        bbar = 1.0 - x
        sig2 = (1.0 - xm / xp) * (1.0 - xp) / (1.0 - xm)
        sqrt_alpha = _sqrt(alpha)
        sqrt_bbar = _sqrt(bbar)
        rows = (
            x,
            bbar,
            _sqrt(x),
            sqrt_bbar,
            alpha,
            beta,
            sqrt_alpha,
            _sqrt(beta),
            beta * beta,
            sig2,
            _sqrt(sig2),
            1.0 / sqrt_alpha,
            1.0 / sqrt_bbar,
            beta * beta / (2.0 * sig2 * alpha * bbar),
        )
        for r, vec in enumerate(rows):
            stats_v[pl.ds(r * TPAD + g * L, L)] = vec

    @plsc.parallel_loop(jnp.int32(0), jnp.int32(BPW), step=jnp.int32(L),
                        unroll=2)
    def _(off):
        t16 = t_v[pl.ds(off, L)]
        for r in range(NSTATS):
            out_v[pl.ds(off + jnp.int32(r * BPW), L)] = plsc.load_gather(
                stats_v, [t16 + jnp.int32(r * TPAD)])

    for r in range(NSTATS):
        pltpu.sync_copy(out_v.at[pl.ds(r * BPW, BPW)],
                        out_hbm.at[jnp.int32(r), pl.ds(base, BPW)])


def kernel(t, alphas_bar):
    ab32 = jnp.concatenate(
        [alphas_bar.astype(jnp.float32),
         jnp.full((TPAD - T,), 0.5, jnp.float32)])
    t32 = t.astype(jnp.int32)
    return _sc_lookup(ab32, t32)

# --- scband reference (transcript-rebuilt; emitter-appended) ---
"""Pipeline reference for scband-noise-schedule-9311489098050 (READ-ONLY COPY).

The authoritative reference and input builder live on the scoring server;
editing this copy changes nothing except your own understanding.
"""

import jax, jax.numpy as jnp
import numpy as np

jax.config.update("jax_enable_x64", True)

T = 50
ALPHAS_BAR = np.array([0.981, 0.962, 0.943, 0.924, 0.905, 0.886, 0.867, 0.848, 0.829, 0.81, 0.791, 0.772, 0.753, 0.734, 0.715, 0.696, 0.677, 0.658, 0.639, 0.62, 0.601, 0.582, 0.563, 0.544, 0.525, 0.506, 0.487, 0.468, 0.449, 0.43, 0.411, 0.392, 0.373, 0.354, 0.335, 0.316, 0.297, 0.278, 0.259, 0.24, 0.221, 0.202, 0.183, 0.164, 0.145, 0.126, 0.107, 0.088, 0.069, 0.05], dtype=np.float64)


def setup_inputs(seed: int = 0) -> dict:
    key = jax.random.key(seed)
    t = jax.random.randint(key, (16384,), 0, T, dtype=jnp.int64)
    alphas_bar = jnp.asarray(ALPHAS_BAR, dtype=jnp.float64)
    return {"t": t, "alphas_bar": alphas_bar}


def reference(t, alphas_bar):
    # pre_compute_statistics (done in float64, as in the torch module)
    betas_bar = 1.0 - alphas_bar
    sqrt_alphas_bar = jnp.sqrt(alphas_bar)
    sqrt_betas_bar = jnp.sqrt(betas_bar)
    alphas = jnp.concatenate([alphas_bar[:1], alphas_bar[1:] / alphas_bar[:-1]])
    betas = 1.0 - alphas
    betas_square = betas ** 2
    sqrt_betas = jnp.sqrt(betas)
    sqrt_alphas = jnp.sqrt(alphas)
    inv_sqrt_alphas = 1.0 / sqrt_alphas
    inv_sqrt_betas_bar = 1.0 / sqrt_betas_bar
    # variance_type == 'lower_bound'
    sig = betas[1:] * (betas_bar[:-1] / betas_bar[1:])
    sigmas_square = jnp.concatenate([sig[:1], sig])
    sigmas = jnp.sqrt(sigmas_square)
    vlb_weights = betas ** 2 / (2.0 * sigmas_square * alphas * betas_bar)
    # stack the 14 statistics in the same key order as the torch dict:
    # alpha_bar, beta_bar, sqrt_alpha_bar, sqrt_beta_bar, alpha, beta,
    # sqrt_alpha, sqrt_beta, beta_square, sigma_square, sigma,
    # inv_sqrt_alpha, inv_sqrt_beta_bar, vlb_weight
    stats = jnp.stack([
        alphas_bar, betas_bar, sqrt_alphas_bar, sqrt_betas_bar,
        alphas, betas, sqrt_alphas, sqrt_betas, betas_square,
        sigmas_square, sigmas, inv_sqrt_alphas, inv_sqrt_betas_bar,
        vlb_weights,
    ], axis=0)  # [14, T]
    out = jnp.take(stats, t, axis=1)  # gather -> [14, B]
    return out.astype(jnp.float32)  # cast to self.dtype (float32)

if __name__ == "__main__":
    import jax
    _d = setup_inputs()
    print(jax.jit(kernel)(*tuple(_d.values())))

</pallas_src>

<mosaic_0001>
#map = affine_map<(d0, d1) -> (0)>
#map1 = affine_map<(d0, d1) -> (0, 0)>
module attributes {stable_mosaic.version = 14 : i64} {
  func.func @_sc_lookup(%arg0: i32, %arg1: i32, %arg2: memref<64xf32, #tpu.memory_space<hbm>>, %arg3: memref<16384xi32, #tpu.memory_space<hbm>>, %arg4: memref<14x16384xf32, #tpu.memory_space<hbm>>, %arg5: memref<64xf32, #tpu.memory_space<vmem>>, %arg6: memref<512xi32, #tpu.memory_space<vmem>>, %arg7: memref<896xf32, #tpu.memory_space<vmem>>, %arg8: memref<7168xf32, #tpu.memory_space<vmem>>, %arg9: memref<!tpu.dma_semaphore, #tpu.memory_space<semaphore_mem>>) attributes {dimension_semantics = [#tpu.dimension_semantics<core_parallel>, #tpu.dimension_semantics<subcore_parallel>], iteration_bounds = array<i64: 2, 16>, scalar_prefetch = 0 : i64, scratch_operands = 5 : i64, tpu.core_type = #tpu.core_type<sc_vector_subcore>, window_params = [{transform_indices = #map}, {transform_indices = #map}, {transform_indices = #map1}]} {
    %mul3A = arith.constant 2 : i32
    %mul3A_0 = arith.muli %arg1, %mul3A : i32
    %add3A = arith.addi %mul3A_0, %arg0 : i32
    %mul3A_1 = arith.constant 512 : i32
    %mul3A_2 = arith.muli %add3A, %mul3A_1 : i32
    "tpu.region"() ({
      %run_scoped3A_1055 = tpu.sem_alloc : memref<!tpu.dma_semaphore, #tpu.memory_space<semaphore_mem>>
      tpu.enqueue_dma source(%arg2 : memref<64xf32, #tpu.memory_space<hbm>>) target(%arg5 : memref<64xf32, #tpu.memory_space<vmem>>) target_semaphore(%run_scoped3A_1055 : memref<!tpu.dma_semaphore, #tpu.memory_space<semaphore_mem>>)
      tpu.wait_dma2 semaphore(%run_scoped3A_1055 : memref<!tpu.dma_semaphore, #tpu.memory_space<semaphore_mem>>) src(%arg2 : memref<64xf32, #tpu.memory_space<hbm>>) dst(%arg5 : memref<64xf32, #tpu.memory_space<vmem>>)
      tpu.yield
    }) : () -> ()
    "tpu.region"() ({
      %run_scoped3A_1055 = tpu.sem_alloc : memref<!tpu.dma_semaphore, #tpu.memory_space<semaphore_mem>>
      %dma_start3A = tpu.memref_slice %arg3[%mul3A_2] : memref<16384xi32, #tpu.memory_space<hbm>> -> memref<512xi32, #tpu.memory_space<hbm>>
      %dma_start3A_1056 = tpu.memref_slice %arg3[%mul3A_2] : memref<16384xi32, #tpu.memory_space<hbm>> -> memref<512xi32, #tpu.memory_space<hbm>>
      tpu.enqueue_dma source(%dma_start3A_1056 : memref<512xi32, #tpu.memory_space<hbm>>) target(%arg6 : memref<512xi32, #tpu.memory_space<vmem>>) target_semaphore(%run_scoped3A_1055 : memref<!tpu.dma_semaphore, #tpu.memory_space<semaphore_mem>>)
      %dma_wait3A = tpu.memref_slice %arg3[%mul3A_2] : memref<16384xi32, #tpu.memory_space<hbm>> -> memref<512xi32, #tpu.memory_space<hbm>>
      %dma_wait3A_1057 = tpu.memref_slice %arg3[%mul3A_2] : memref<16384xi32, #tpu.memory_space<hbm>> -> memref<512xi32, #tpu.memory_space<hbm>>
      tpu.wait_dma2 semaphore(%run_scoped3A_1055 : memref<!tpu.dma_semaphore, #tpu.memory_space<semaphore_mem>>) src(%dma_wait3A_1057 : memref<512xi32, #tpu.memory_space<hbm>>) dst(%arg6 : memref<512xi32, #tpu.memory_space<vmem>>)
      tpu.yield
    }) : () -> ()
    %iota3A = tpu.iota {dimensions = array<i32: 0>} : vector<16xi32>
    %add3A_3 = arith.constant 0 : i32
    %add3A_4 = vector.broadcast %add3A_3 : i32 to vector<16xi32>
    %add3A_5 = arith.addi %iota3A, %add3A_4 : vector<16xi32>
    %get3A = arith.constant 0 : index
    %get3A_6 = tpu.vector_load %arg5[%get3A] {strides = array<i32>} : memref<64xf32, #tpu.memory_space<vmem>>, vector<16xf32>,
    %sub3A = arith.constant 1 : i32
    %sub3A_7 = vector.broadcast %sub3A : i32 to vector<16xi32>
    %sub3A_8 = arith.subi %add3A_5, %sub3A_7 : vector<16xi32>
    %max3A = arith.constant 0 : i32
    %max3A_9 = vector.broadcast %max3A : i32 to vector<16xi32>
    %max3A_10 = arith.maxsi %sub3A_8, %max3A_9 : vector<16xi32>
    %gather3A = tpu.vector_load_idx %arg5[%max3A_10] : memref<64xf32, #tpu.memory_space<vmem>>[vector<16xi32>], vector<16xf32>,
    %max3A_11 = arith.constant 1 : i32
    %max3A_12 = vector.broadcast %max3A_11 : i32 to vector<16xi32>
    %max3A_13 = arith.maxsi %add3A_5, %max3A_12 : vector<16xi32>
    %gather3A_14 = tpu.vector_load_idx %arg5[%max3A_13] : memref<64xf32, #tpu.memory_space<vmem>>[vector<16xi32>], vector<16xf32>,
    %eq3A = arith.constant 0 : i32
    %eq3A_15 = vector.broadcast %eq3A : i32 to vector<16xi32>
    %eq3A_16 = arith.cmpi eq, %add3A_5, %eq3A_15 : vector<16xi32>
    %div3A = arith.divf %get3A_6, %gather3A : vector<16xf32>
    %select_n3A = arith.select %eq3A_16, %get3A_6, %div3A : vector<16xi1>, vector<16xf32>
    %sub3A_17 = arith.constant 1.000000e+00 : f32
    %sub3A_18 = vector.broadcast %sub3A_17 : f32 to vector<16xf32>
    %sub3A_19 = arith.subf %sub3A_18, %select_n3A : vector<16xf32>
    %sub3A_20 = arith.constant 1.000000e+00 : f32
    %sub3A_21 = vector.broadcast %sub3A_20 : f32 to vector<16xf32>
    %sub3A_22 = arith.subf %sub3A_21, %get3A_6 : vector<16xf32>
    %div3A_23 = arith.divf %gather3A_14, %gather3A : vector<16xf32>
    %sub3A_24 = arith.constant 1.000000e+00 : f32
    %sub3A_25 = vector.broadcast %sub3A_24 : f32 to vector<16xf32>
    %sub3A_26 = arith.subf %sub3A_25, %div3A_23 : vector<16xf32>
    %sub3A_27 = arith.constant 1.000000e+00 : f32
    %sub3A_28 = vector.broadcast %sub3A_27 : f32 to vector<16xf32>
    %sub3A_29 = arith.subf %sub3A_28, %gather3A : vector<16xf32>
    %mul3A_30 = arith.mulf %sub3A_26, %sub3A_29 : vector<16xf32>
    %sub3A_31 = arith.constant 1.000000e+00 : f32
    %sub3A_32 = vector.broadcast %sub3A_31 : f32 to vector<16xf32>
    %sub3A_33 = arith.subf %sub3A_32, %gather3A_14 : vector<16xf32>
    %div3A_34 = arith.divf %mul3A_30, %sub3A_33 : vector<16xf32>
    %bitcast_convert_type3A = tpu.bitcast %select_n3A : vector<16xf32> -> vector<16xi32>
    %shift_right_arithmetic3A = arith.constant 1 : i32
    %shift_right_arithmetic3A_35 = vector.broadcast %shift_right_arithmetic3A : i32 to vector<16xi32>
    %shift_right_arithmetic3A_36 = arith.shrsi %bitcast_convert_type3A, %shift_right_arithmetic3A_35 : vector<16xi32>
    %sub3A_37 = arith.constant 1597463007 : i32
    %sub3A_38 = vector.broadcast %sub3A_37 : i32 to vector<16xi32>
    %sub3A_39 = arith.subi %sub3A_38, %shift_right_arithmetic3A_36 : vector<16xi32>
    %bitcast_convert_type3A_40 = tpu.bitcast %sub3A_39 : vector<16xi32> -> vector<16xf32>
    %mul3A_41 = arith.constant 5.000000e-01 : f32
    %mul3A_42 = vector.broadcast %mul3A_41 : f32 to vector<16xf32>
    %mul3A_43 = arith.mulf %mul3A_42, %select_n3A : vector<16xf32>
    %mul3A_44 = arith.mulf %mul3A_43, %bitcast_convert_type3A_40 : vector<16xf32>
    %mul3A_45 = arith.mulf %mul3A_44, %bitcast_convert_type3A_40 : vector<16xf32>
    %sub3A_46 = arith.constant 1.500000e+00 : f32
    %sub3A_47 = vector.broadcast %sub3A_46 : f32 to vector<16xf32>
    %sub3A_48 = arith.subf %sub3A_47, %mul3A_45 : vector<16xf32>
    %mul3A_49 = arith.mulf %bitcast_convert_type3A_40, %sub3A_48 : vector<16xf32>
    %mul3A_50 = arith.constant 5.000000e-01 : f32
    %mul3A_51 = vector.broadcast %mul3A_50 : f32 to vector<16xf32>
    %mul3A_52 = arith.mulf %mul3A_51, %select_n3A : vector<16xf32>
    %mul3A_53 = arith.mulf %mul3A_52, %mul3A_49 : vector<16xf32>
    %mul3A_54 = arith.mulf %mul3A_53, %mul3A_49 : vector<16xf32>
    %sub3A_55 = arith.constant 1.500000e+00 : f32
    %sub3A_56 = vector.broadcast %sub3A_55 : f32 to vector<16xf32>
    %sub3A_57 = arith.subf %sub3A_56, %mul3A_54 : vector<16xf32>
    %mul3A_58 = arith.mulf %mul3A_49, %sub3A_57 : vector<16xf32>
    %mul3A_59 = arith.constant 5.000000e-01 : f32
    %mul3A_60 = vector.broadcast %mul3A_59 : f32 to vector<16xf32>
    %mul3A_61 = arith.mulf %mul3A_60, %select_n3A : vector<16xf32>
    %mul3A_62 = arith.mulf %mul3A_61, %mul3A_58 : vector<16xf32>
    %mul3A_63 = arith.mulf %mul3A_62, %mul3A_58 : vector<16xf32>
    %sub3A_64 = arith.constant 1.500000e+00 : f32
    %sub3A_65 = vector.broadcast %sub3A_64 : f32 to vector<16xf32>
    %sub3A_66 = arith.subf %sub3A_65, %mul3A_63 : vector<16xf32>
    %mul3A_67 = arith.mulf %mul3A_58, %sub3A_66 : vector<16xf32>
    %mul3A_68 = arith.mulf %select_n3A, %mul3A_67 : vector<16xf32>
    %bitcast_convert_type3A_69 = tpu.bitcast %sub3A_22 : vector<16xf32> -> vector<16xi32>
    %shift_right_arithmetic3A_70 = arith.constant 1 : i32
    %shift_right_arithmetic3A_71 = vector.broadcast %shift_right_arithmetic3A_70 : i32 to vector<16xi32>
    %shift_right_arithmetic3A_72 = arith.shrsi %bitcast_convert_type3A_69, %shift_right_arithmetic3A_71 : vector<16xi32>
    %sub3A_73 = arith.constant 1597463007 : i32
    %sub3A_74 = vector.broadcast %sub3A_73 : i32 to vector<16xi32>
    %sub3A_75 = arith.subi %sub3A_74, %shift_right_arithmetic3A_72 : vector<16xi32>
    %bitcast_convert_type3A_76 = tpu.bitcast %sub3A_75 : vector<16xi32> -> vector<16xf32>
    %mul3A_77 = arith.constant 5.000000e-01 : f32
    %mul3A_78 = vector.broadcast %mul3A_77 : f32 to vector<16xf32>
    %mul3A_79 = arith.mulf %mul3A_78, %sub3A_22 : vector<16xf32>
    %mul3A_80 = arith.mulf %mul3A_79, %bitcast_convert_type3A_76 : vector<16xf32>
    %mul3A_81 = arith.mulf %mul3A_80, %bitcast_convert_type3A_76 : vector<16xf32>
    %sub3A_82 = arith.constant 1.500000e+00 : f32
    %sub3A_83 = vector.broadcast %sub3A_82 : f32 to vector<16xf32>
    %sub3A_84 = arith.subf %sub3A_83, %mul3A_81 : vector<16xf32>
    %mul3A_85 = arith.mulf %bitcast_convert_type3A_76, %sub3A_84 : vector<16xf32>
    %mul3A_86 = arith.constant 5.000000e-01 : f32
    %mul3A_87 = vector.broadcast %mul3A_86 : f32 to vector<16xf32>
    %mul3A_88 = arith.mulf %mul3A_87, %sub3A_22 : vector<16xf32>
    %mul3A_89 = arith.mulf %mul3A_88, %mul3A_85 : vector<16xf32>
    %mul3A_90 = arith.mulf %mul3A_89, %mul3A_85 : vector<16xf32>
    %sub3A_91 = arith.constant 1.500000e+00 : f32
    %sub3A_92 = vector.broadcast %sub3A_91 : f32 to vector<16xf32>
    %sub3A_93 = arith.subf %sub3A_92, %mul3A_90 : vector<16xf32>
    %mul3A_94 = arith.mulf %mul3A_85, %sub3A_93 : vector<16xf32>
    %mul3A_95 = arith.constant 5.000000e-01 : f32
    %mul3A_96 = vector.broadcast %mul3A_95 : f32 to vector<16xf32>
    %mul3A_97 = arith.mulf %mul3A_96, %sub3A_22 : vector<16xf32>
    %mul3A_98 = arith.mulf %mul3A_97, %mul3A_94 : vector<16xf32>
    %mul3A_99 = arith.mulf %mul3A_98, %mul3A_94 : vector<16xf32>
    %sub3A_100 = arith.constant 1.500000e+00 : f32
    %sub3A_101 = vector.broadcast %sub3A_100 : f32 to vector<16xf32>
    %sub3A_102 = arith.subf %sub3A_101, %mul3A_99 : vector<16xf32>
    %mul3A_103 = arith.mulf %mul3A_94, %sub3A_102 : vector<16xf32>
    %mul3A_104 = arith.mulf %sub3A_22, %mul3A_103 : vector<16xf32>
    %bitcast_convert_type3A_105 = tpu.bitcast %get3A_6 : vector<16xf32> -> vector<16xi32>
    %shift_right_arithmetic3A_106 = arith.constant 1 : i32
    %shift_right_arithmetic3A_107 = vector.broadcast %shift_right_arithmetic3A_106 : i32 to vector<16xi32>
    %shift_right_arithmetic3A_108 = arith.shrsi %bitcast_convert_type3A_105, %shift_right_arithmetic3A_107 : vector<16xi32>
    %sub3A_109 = arith.constant 1597463007 : i32
    %sub3A_110 = vector.broadcast %sub3A_109 : i32 to vector<16xi32>
    %sub3A_111 = arith.subi %sub3A_110, %shift_right_arithmetic3A_108 : vector<16xi32>
    %bitcast_convert_type3A_112 = tpu.bitcast %sub3A_111 : vector<16xi32> -> vector<16xf32>
    %mul3A_113 = arith.constant 5.000000e-01 : f32
    %mul3A_114 = vector.broadcast %mul3A_113 : f32 to vector<16xf32>
    %mul3A_115 = arith.mulf %mul3A_114, %get3A_6 : vector<16xf32>
    %mul3A_116 = arith.mulf %mul3A_115, %bitcast_convert_type3A_112 : vector<16xf32>
    %mul3A_117 = arith.mulf %mul3A_116, %bitcast_convert_type3A_112 : vector<16xf32>
    %sub3A_118 = arith.constant 1.500000e+00 : f32
    %sub3A_119 = vector.broadcast %sub3A_118 : f32 to vector<16xf32>
    %sub3A_120 = arith.subf %sub3A_119, %mul3A_117 : vector<16xf32>
    %mul3A_121 = arith.mulf %bitcast_convert_type3A_112, %sub3A_120 : vector<16xf32>
    %mul3A_122 = arith.constant 5.000000e-01 : f32
    %mul3A_123 = vector.broadcast %mul3A_122 : f32 to vector<16xf32>
    %mul3A_124 = arith.mulf %mul3A_123, %get3A_6 : vector<16xf32>
    %mul3A_125 = arith.mulf %mul3A_124, %mul3A_121 : vector<16xf32>
    %mul3A_126 = arith.mulf %mul3A_125, %mul3A_121 : vector<16xf32>
    %sub3A_127 = arith.constant 1.500000e+00 : f32
    %sub3A_128 = vector.broadcast %sub3A_127 : f32 to vector<16xf32>
    %sub3A_129 = arith.subf %sub3A_128, %mul3A_126 : vector<16xf32>
    %mul3A_130 = arith.mulf %mul3A_121, %sub3A_129 : vector<16xf32>
    %mul3A_131 = arith.constant 5.000000e-01 : f32
    %mul3A_132 = vector.broadcast %mul3A_131 : f32 to vector<16xf32>
    %mul3A_133 = arith.mulf %mul3A_132, %get3A_6 : vector<16xf32>
    %mul3A_134 = arith.mulf %mul3A_133, %mul3A_130 : vector<16xf32>
    %mul3A_135 = arith.mulf %mul3A_134, %mul3A_130 : vector<16xf32>
    %sub3A_136 = arith.constant 1.500000e+00 : f32
    %sub3A_137 = vector.broadcast %sub3A_136 : f32 to vector<16xf32>
    %sub3A_138 = arith.subf %sub3A_137, %mul3A_135 : vector<16xf32>
    %mul3A_139 = arith.mulf %mul3A_130, %sub3A_138 : vector<16xf32>
    %mul3A_140 = arith.mulf %get3A_6, %mul3A_139 : vector<16xf32>
    %bitcast_convert_type3A_141 = tpu.bitcast %sub3A_19 : vector<16xf32> -> vector<16xi32>
    %shift_right_arithmetic3A_142 = arith.constant 1 : i32
    %shift_right_arithmetic3A_143 = vector.broadcast %shift_right_arithmetic3A_142 : i32 to vector<16xi32>
    %shift_right_arithmetic3A_144 = arith.shrsi %bitcast_convert_type3A_141, %shift_right_arithmetic3A_143 : vector<16xi32>
    %sub3A_145 = arith.constant 1597463007 : i32
    %sub3A_146 = vector.broadcast %sub3A_145 : i32 to vector<16xi32>
    %sub3A_147 = arith.subi %sub3A_146, %shift_right_arithmetic3A_144 : vector<16xi32>
    %bitcast_convert_type3A_148 = tpu.bitcast %sub3A_147 : vector<16xi32> -> vector<16xf32>
    %mul3A_149 = arith.constant 5.000000e-01 : f32
    %mul3A_150 = vector.broadcast %mul3A_149 : f32 to vector<16xf32>
    %mul3A_151 = arith.mulf %mul3A_150, %sub3A_19 : vector<16xf32>
    %mul3A_152 = arith.mulf %mul3A_151, %bitcast_convert_type3A_148 : vector<16xf32>
    %mul3A_153 = arith.mulf %mul3A_152, %bitcast_convert_type3A_148 : vector<16xf32>
    %sub3A_154 = arith.constant 1.500000e+00 : f32
    %sub3A_155 = vector.broadcast %sub3A_154 : f32 to vector<16xf32>
    %sub3A_156 = arith.subf %sub3A_155, %mul3A_153 : vector<16xf32>
    %mul3A_157 = arith.mulf %bitcast_convert_type3A_148, %sub3A_156 : vector<16xf32>
    %mul3A_158 = arith.constant 5.000000e-01 : f32
    %mul3A_159 = vector.broadcast %mul3A_158 : f32 to vector<16xf32>
    %mul3A_160 = arith.mulf %mul3A_159, %sub3A_19 : vector<16xf32>
    %mul3A_161 = arith.mulf %mul3A_160, %mul3A_157 : vector<16xf32>
    %mul3A_162 = arith.mulf %mul3A_161, %mul3A_157 : vector<16xf32>
    %sub3A_163 = arith.constant 1.500000e+00 : f32
    %sub3A_164 = vector.broadcast %sub3A_163 : f32 to vector<16xf32>
    %sub3A_165 = arith.subf %sub3A_164, %mul3A_162 : vector<16xf32>
    %mul3A_166 = arith.mulf %mul3A_157, %sub3A_165 : vector<16xf32>
    %mul3A_167 = arith.constant 5.000000e-01 : f32
    %mul3A_168 = vector.broadcast %mul3A_167 : f32 to vector<16xf32>
    %mul3A_169 = arith.mulf %mul3A_168, %sub3A_19 : vector<16xf32>
    %mul3A_170 = arith.mulf %mul3A_169, %mul3A_166 : vector<16xf32>
    %mul3A_171 = arith.mulf %mul3A_170, %mul3A_166 : vector<16xf32>
    %sub3A_172 = arith.constant 1.500000e+00 : f32
    %sub3A_173 = vector.broadcast %sub3A_172 : f32 to vector<16xf32>
    %sub3A_174 = arith.subf %sub3A_173, %mul3A_171 : vector<16xf32>
    %mul3A_175 = arith.mulf %mul3A_166, %sub3A_174 : vector<16xf32>
    %mul3A_176 = arith.mulf %sub3A_19, %mul3A_175 : vector<16xf32>
    %mul3A_177 = arith.mulf %sub3A_19, %sub3A_19 : vector<16xf32>
    %bitcast_convert_type3A_178 = tpu.bitcast %div3A_34 : vector<16xf32> -> vector<16xi32>
    %shift_right_arithmetic3A_179 = arith.constant 1 : i32
    %shift_right_arithmetic3A_180 = vector.broadcast %shift_right_arithmetic3A_179 : i32 to vector<16xi32>
    %shift_right_arithmetic3A_181 = arith.shrsi %bitcast_convert_type3A_178, %shift_right_arithmetic3A_180 : vector<16xi32>
    %sub3A_182 = arith.constant 1597463007 : i32
    %sub3A_183 = vector.broadcast %sub3A_182 : i32 to vector<16xi32>
    %sub3A_184 = arith.subi %sub3A_183, %shift_right_arithmetic3A_181 : vector<16xi32>
    %bitcast_convert_type3A_185 = tpu.bitcast %sub3A_184 : vector<16xi32> -> vector<16xf32>
    %mul3A_186 = arith.constant 5.000000e-01 : f32
    %mul3A_187 = vector.broadcast %mul3A_186 : f32 to vector<16xf32>
    %mul3A_188 = arith.mulf %mul3A_187, %div3A_34 : vector<16xf32>
    %mul3A_189 = arith.mulf %mul3A_188, %bitcast_convert_type3A_185 : vector<16xf32>
    %mul3A_190 = arith.mulf %mul3A_189, %bitcast_convert_type3A_185 : vector<16xf32>
    %sub3A_191 = arith.constant 1.500000e+00 : f32
    %sub3A_192 = vector.broadcast %sub3A_191 : f32 to vector<16xf32>
    %sub3A_193 = arith.subf %sub3A_192, %mul3A_190 : vector<16xf32>
    %mul3A_194 = arith.mulf %bitcast_convert_type3A_185, %sub3A_193 : vector<16xf32>
    %mul3A_195 = arith.constant 5.000000e-01 : f32
    %mul3A_196 = vector.broadcast %mul3A_195 : f32 to vector<16xf32>
    %mul3A_197 = arith.mulf %mul3A_196, %div3A_34 : vector<16xf32>
    %mul3A_198 = arith.mulf %mul3A_197, %mul3A_194 : vector<16xf32>
    %mul3A_199 = arith.mulf %mul3A_198, %mul3A_194 : vector<16xf32>
    %sub3A_200 = arith.constant 1.500000e+00 : f32
    %sub3A_201 = vector.broadcast %sub3A_200 : f32 to vector<16xf32>
    %sub3A_202 = arith.subf %sub3A_201, %mul3A_199 : vector<16xf32>
    %mul3A_203 = arith.mulf %mul3A_194, %sub3A_202 : vector<16xf32>
    %mul3A_204 = arith.constant 5.000000e-01 : f32
    %mul3A_205 = vector.broadcast %mul3A_204 : f32 to vector<16xf32>
    %mul3A_206 = arith.mulf %mul3A_205, %div3A_34 : vector<16xf32>
    %mul3A_207 = arith.mulf %mul3A_206, %mul3A_203 : vector<16xf32>
    %mul3A_208 = arith.mulf %mul3A_207, %mul3A_203 : vector<16xf32>
    %sub3A_209 = arith.constant 1.500000e+00 : f32
    %sub3A_210 = vector.broadcast %sub3A_209 : f32 to vector<16xf32>
    %sub3A_211 = arith.subf %sub3A_210, %mul3A_208 : vector<16xf32>
    %mul3A_212 = arith.mulf %mul3A_203, %sub3A_211 : vector<16xf32>
    %mul3A_213 = arith.mulf %div3A_34, %mul3A_212 : vector<16xf32>
    %div3A_214 = arith.constant 1.000000e+00 : f32
    %div3A_215 = vector.broadcast %div3A_214 : f32 to vector<16xf32>
    %div3A_216 = arith.divf %div3A_215, %mul3A_68 : vector<16xf32>
    %div3A_217 = arith.constant 1.000000e+00 : f32
    %div3A_218 = vector.broadcast %div3A_217 : f32 to vector<16xf32>
    %div3A_219 = arith.divf %div3A_218, %mul3A_104 : vector<16xf32>
    %mul3A_220 = arith.mulf %sub3A_19, %sub3A_19 : vector<16xf32>
    %mul3A_221 = arith.constant 2.000000e+00 : f32
    %mul3A_222 = vector.broadcast %mul3A_221 : f32 to vector<16xf32>
    %mul3A_223 = arith.mulf %mul3A_222, %div3A_34 : vector<16xf32>
    %mul3A_224 = arith.mulf %mul3A_223, %select_n3A : vector<16xf32>
    %mul3A_225 = arith.mulf %mul3A_224, %sub3A_22 : vector<16xf32>
    %div3A_226 = arith.divf %mul3A_220, %mul3A_225 : vector<16xf32>
    %swap3A = arith.constant 0 : index
    %swap3A_227 = tpu.vector_load %arg7[%swap3A] {strides = array<i32>} : memref<896xf32, #tpu.memory_space<vmem>>, vector<16xf32>,
    tpu.vector_store %arg7[%swap3A], %get3A_6 {strides = array<i32>} : memref<896xf32, #tpu.memory_space<vmem>>, vector<16xf32>,
    %swap3A_228 = arith.constant 64 : index
    %swap3A_229 = tpu.vector_load %arg7[%swap3A_228] {strides = array<i32>} : memref<896xf32, #tpu.memory_space<vmem>>, vector<16xf32>,
    tpu.vector_store %arg7[%swap3A_228], %sub3A_22 {strides = array<i32>} : memref<896xf32, #tpu.memory_space<vmem>>, vector<16xf32>,
    %swap3A_230 = arith.constant 128 : index
    %swap3A_231 = tpu.vector_load %arg7[%swap3A_230] {strides = array<i32>} : memref<896xf32, #tpu.memory_space<vmem>>, vector<16xf32>,
    tpu.vector_store %arg7[%swap3A_230], %mul3A_140 {strides = array<i32>} : memref<896xf32, #tpu.memory_space<vmem>>, vector<16xf32>,
    %swap3A_232 = arith.constant 192 : index
    %swap3A_233 = tpu.vector_load %arg7[%swap3A_232] {strides = array<i32>} : memref<896xf32, #tpu.memory_space<vmem>>, vector<16xf32>,
    tpu.vector_store %arg7[%swap3A_232], %mul3A_104 {strides = array<i32>} : memref<896xf32, #tpu.memory_space<vmem>>, vector<16xf32>,
    %swap3A_234 = arith.constant 256 : index
    %swap3A_235 = tpu.vector_load %arg7[%swap3A_234] {strides = array<i32>} : memref<896xf32, #tpu.memory_space<vmem>>, vector<16xf32>,
    tpu.vector_store %arg7[%swap3A_234], %select_n3A {strides = array<i32>} : memref<896xf32, #tpu.memory_space<vmem>>, vector<16xf32>,
    %swap3A_236 = arith.constant 320 : index
    %swap3A_237 = tpu.vector_load %arg7[%swap3A_236] {strides = array<i32>} : memref<896xf32, #tpu.memory_space<vmem>>, vector<16xf32>,
    tpu.vector_store %arg7[%swap3A_236], %sub3A_19 {strides = array<i32>} : memref<896xf32, #tpu.memory_space<vmem>>, vector<16xf32>,
    %swap3A_238 = arith.constant 384 : index
    %swap3A_239 = tpu.vector_load %arg7[%swap3A_238] {strides = array<i32>} : memref<896xf32, #tpu.memory_space<vmem>>, vector<16xf32>,
    tpu.vector_store %arg7[%swap3A_238], %mul3A_68 {strides = array<i32>} : memref<896xf32, #tpu.memory_space<vmem>>, vector<16xf32>,
    %swap3A_240 = arith.constant 448 : index
    %swap3A_241 = tpu.vector_load %arg7[%swap3A_240] {strides = array<i32>} : memref<896xf32, #tpu.memory_space<vmem>>, vector<16xf32>,
    tpu.vector_store %arg7[%swap3A_240], %mul3A_176 {strides = array<i32>} : memref<896xf32, #tpu.memory_space<vmem>>, vector<16xf32>,
    %swap3A_242 = arith.constant 512 : index
    %swap3A_243 = tpu.vector_load %arg7[%swap3A_242] {strides = array<i32>} : memref<896xf32, #tpu.memory_space<vmem>>, vector<16xf32>,
    tpu.vector_store %arg7[%swap3A_242], %mul3A_177 {strides = array<i32>} : memref<896xf32, #tpu.memory_space<vmem>>, vector<16xf32>,
    %swap3A_244 = arith.constant 576 : index
    %swap3A_245 = tpu.vector_load %arg7[%swap3A_244] {strides = array<i32>} : memref<896xf32, #tpu.memory_space<vmem>>, vector<16xf32>,
    tpu.vector_store %arg7[%swap3A_244], %div3A_34 {strides = array<i32>} : memref<896xf32, #tpu.memory_space<vmem>>, vector<16xf32>,
    %swap3A_246 = arith.constant 640 : index
    %swap3A_247 = tpu.vector_load %arg7[%swap3A_246] {strides = array<i32>} : memref<896xf32, #tpu.memory_space<vmem>>, vector<16xf32>,
    tpu.vector_store %arg7[%swap3A_246], %mul3A_213 {strides = array<i32>} : memref<896xf32, #tpu.memory_space<vmem>>, vector<16xf32>,
    %swap3A_248 = arith.constant 704 : index
    %swap3A_249 = tpu.vector_load %arg7[%swap3A_248] {strides = array<i32>} : memref<896xf32, #tpu.memory_space<vmem>>, vector<16xf32>,
    tpu.vector_store %arg7[%swap3A_248], %div3A_216 {strides = array<i32>} : memref<896xf32, #tpu.memory_space<vmem>>, vector<16xf32>,
    %swap3A_250 = arith.constant 768 : index
    %swap3A_251 = tpu.vector_load %arg7[%swap3A_250] {strides = array<i32>} : memref<896xf32, #tpu.memory_space<vmem>>, vector<16xf32>,
    tpu.vector_store %arg7[%swap3A_250], %div3A_219 {strides = array<i32>} : memref<896xf32, #tpu.memory_space<vmem>>, vector<16xf32>,
    %swap3A_252 = arith.constant 832 : index
    %swap3A_253 = tpu.vector_load %arg7[%swap3A_252] {strides = array<i32>} : memref<896xf32, #tpu.memory_space<vmem>>, vector<16xf32>,
    tpu.vector_store %arg7[%swap3A_252], %div3A_226 {strides = array<i32>} : memref<896xf32, #tpu.memory_space<vmem>>, vector<16xf32>,
    %iota3A_254 = tpu.iota {dimensions = array<i32: 0>} : vector<16xi32>
    %add3A_255 = arith.constant 16 : i32
    %add3A_256 = vector.broadcast %add3A_255 : i32 to vector<16xi32>
    %add3A_257 = arith.addi %iota3A_254, %add3A_256 : vector<16xi32>
    %get3A_258 = arith.constant 16 : index
    %get3A_259 = tpu.vector_load %arg5[%get3A_258] {strides = array<i32>} : memref<64xf32, #tpu.memory_space<vmem>>, vector<16xf32>,
    %sub3A_260 = arith.constant 1 : i32
    %sub3A_261 = vector.broadcast %sub3A_260 : i32 to vector<16xi32>
    %sub3A_262 = arith.subi %add3A_257, %sub3A_261 : vector<16xi32>
    %max3A_263 = arith.constant 0 : i32
    %max3A_264 = vector.broadcast %max3A_263 : i32 to vector<16xi32>
    %max3A_265 = arith.maxsi %sub3A_262, %max3A_264 : vector<16xi32>
    %gather3A_266 = tpu.vector_load_idx %arg5[%max3A_265] : memref<64xf32, #tpu.memory_space<vmem>>[vector<16xi32>], vector<16xf32>,
    %max3A_267 = arith.constant 1 : i32
    %max3A_268 = vector.broadcast %max3A_267 : i32 to vector<16xi32>
    %max3A_269 = arith.maxsi %add3A_257, %max3A_268 : vector<16xi32>
    %gather3A_270 = tpu.vector_load_idx %arg5[%max3A_269] : memref<64xf32, #tpu.memory_space<vmem>>[vector<16xi32>], vector<16xf32>,
    %eq3A_271 = arith.constant 0 : i32
    %eq3A_272 = vector.broadcast %eq3A_271 : i32 to vector<16xi32>
    %eq3A_273 = arith.cmpi eq, %add3A_257, %eq3A_272 : vector<16xi32>
    %div3A_274 = arith.divf %get3A_259, %gather3A_266 : vector<16xf32>
    %select_n3A_275 = arith.select %eq3A_273, %get3A_259, %div3A_274 : vector<16xi1>, vector<16xf32>
    %sub3A_276 = arith.constant 1.000000e+00 : f32
    %sub3A_277 = vector.broadcast %sub3A_276 : f32 to vector<16xf32>
    %sub3A_278 = arith.subf %sub3A_277, %select_n3A_275 : vector<16xf32>
    %sub3A_279 = arith.constant 1.000000e+00 : f32
    %sub3A_280 = vector.broadcast %sub3A_279 : f32 to vector<16xf32>
    %sub3A_281 = arith.subf %sub3A_280, %get3A_259 : vector<16xf32>
    %div3A_282 = arith.divf %gather3A_270, %gather3A_266 : vector<16xf32>
    %sub3A_283 = arith.constant 1.000000e+00 : f32
    %sub3A_284 = vector.broadcast %sub3A_283 : f32 to vector<16xf32>
    %sub3A_285 = arith.subf %sub3A_284, %div3A_282 : vector<16xf32>
    %sub3A_286 = arith.constant 1.000000e+00 : f32
    %sub3A_287 = vector.broadcast %sub3A_286 : f32 to vector<16xf32>
    %sub3A_288 = arith.subf %sub3A_287, %gather3A_266 : vector<16xf32>
    %mul3A_289 = arith.mulf %sub3A_285, %sub3A_288 : vector<16xf32>
    %sub3A_290 = arith.constant 1.000000e+00 : f32
    %sub3A_291 = vector.broadcast %sub3A_290 : f32 to vector<16xf32>
    %sub3A_292 = arith.subf %sub3A_291, %gather3A_270 : vector<16xf32>
    %div3A_293 = arith.divf %mul3A_289, %sub3A_292 : vector<16xf32>
    %bitcast_convert_type3A_294 = tpu.bitcast %select_n3A_275 : vector<16xf32> -> vector<16xi32>
    %shift_right_arithmetic3A_295 = arith.constant 1 : i32
    %shift_right_arithmetic3A_296 = vector.broadcast %shift_right_arithmetic3A_295 : i32 to vector<16xi32>
    %shift_right_arithmetic3A_297 = arith.shrsi %bitcast_convert_type3A_294, %shift_right_arithmetic3A_296 : vector<16xi32>
    %sub3A_298 = arith.constant 1597463007 : i32
    %sub3A_299 = vector.broadcast %sub3A_298 : i32 to vector<16xi32>
    %sub3A_300 = arith.subi %sub3A_299, %shift_right_arithmetic3A_297 : vector<16xi32>
    %bitcast_convert_type3A_301 = tpu.bitcast %sub3A_300 : vector<16xi32> -> vector<16xf32>
    %mul3A_302 = arith.constant 5.000000e-01 : f32
    %mul3A_303 = vector.broadcast %mul3A_302 : f32 to vector<16xf32>
    %mul3A_304 = arith.mulf %mul3A_303, %select_n3A_275 : vector<16xf32>
    %mul3A_305 = arith.mulf %mul3A_304, %bitcast_convert_type3A_301 : vector<16xf32>
    %mul3A_306 = arith.mulf %mul3A_305, %bitcast_convert_type3A_301 : vector<16xf32>
    %sub3A_307 = arith.constant 1.500000e+00 : f32
    %sub3A_308 = vector.broadcast %sub3A_307 : f32 to vector<16xf32>
    %sub3A_309 = arith.subf %sub3A_308, %mul3A_306 : vector<16xf32>
    %mul3A_310 = arith.mulf %bitcast_convert_type3A_301, %sub3A_309 : vector<16xf32>
    %mul3A_311 = arith.constant 5.000000e-01 : f32
    %mul3A_312 = vector.broadcast %mul3A_311 : f32 to vector<16xf32>
    %mul3A_313 = arith.mulf %mul3A_312, %select_n3A_275 : vector<16xf32>
    %mul3A_314 = arith.mulf %mul3A_313, %mul3A_310 : vector<16xf32>
    %mul3A_315 = arith.mulf %mul3A_314, %mul3A_310 : vector<16xf32>
    %sub3A_316 = arith.constant 1.500000e+00 : f32
    %sub3A_317 = vector.broadcast %sub3A_316 : f32 to vector<16xf32>
    %sub3A_318 = arith.subf %sub3A_317, %mul3A_315 : vector<16xf32>
    %mul3A_319 = arith.mulf %mul3A_310, %sub3A_318 : vector<16xf32>
    %mul3A_320 = arith.constant 5.000000e-01 : f32
    %mul3A_321 = vector.broadcast %mul3A_320 : f32 to vector<16xf32>
    %mul3A_322 = arith.mulf %mul3A_321, %select_n3A_275 : vector<16xf32>
    %mul3A_323 = arith.mulf %mul3A_322, %mul3A_319 : vector<16xf32>
    %mul3A_324 = arith.mulf %mul3A_323, %mul3A_319 : vector<16xf32>
    %sub3A_325 = arith.constant 1.500000e+00 : f32
    %sub3A_326 = vector.broadcast %sub3A_325 : f32 to vector<16xf32>
    %sub3A_327 = arith.subf %sub3A_326, %mul3A_324 : vector<16xf32>
    %mul3A_328 = arith.mulf %mul3A_319, %sub3A_327 : vector<16xf32>
    %mul3A_329 = arith.mulf %select_n3A_275, %mul3A_328 : vector<16xf32>
    %bitcast_convert_type3A_330 = tpu.bitcast %sub3A_281 : vector<16xf32> -> vector<16xi32>
    %shift_right_arithmetic3A_331 = arith.constant 1 : i32
    %shift_right_arithmetic3A_332 = vector.broadcast %shift_right_arithmetic3A_331 : i32 to vector<16xi32>
    %shift_right_arithmetic3A_333 = arith.shrsi %bitcast_convert_type3A_330, %shift_right_arithmetic3A_332 : vector<16xi32>
    %sub3A_334 = arith.constant 1597463007 : i32
    %sub3A_335 = vector.broadcast %sub3A_334 : i32 to vector<16xi32>
    %sub3A_336 = arith.subi %sub3A_335, %shift_right_arithmetic3A_333 : vector<16xi32>
    %bitcast_convert_type3A_337 = tpu.bitcast %sub3A_336 : vector<16xi32> -> vector<16xf32>
    %mul3A_338 = arith.constant 5.000000e-01 : f32
    %mul3A_339 = vector.broadcast %mul3A_338 : f32 to vector<16xf32>
    %mul3A_340 = arith.mulf %mul3A_339, %sub3A_281 : vector<16xf32>
    %mul3A_341 = arith.mulf %mul3A_340, %bitcast_convert_type3A_337 : vector<16xf32>
    %mul3A_342 = arith.mulf %mul3A_341, %bitcast_convert_type3A_337 : vector<16xf32>
    %sub3A_343 = arith.constant 1.500000e+00 : f32
    %sub3A_344 = vector.broadcast %sub3A_343 : f32 to vector<16xf32>
    %sub3A_345 = arith.subf %sub3A_344, %mul3A_342 : vector<16xf32>
    %mul3A_346 = arith.mulf %bitcast_convert_type3A_337, %sub3A_345 : vector<16xf32>
    %mul3A_347 = arith.constant 5.000000e-01 : f32
    %mul3A_348 = vector.broadcast %mul3A_347 : f32 to vector<16xf32>
    %mul3A_349 = arith.mulf %mul3A_348, %sub3A_281 : vector<16xf32>
    %mul3A_350 = arith.mulf %mul3A_349, %mul3A_346 : vector<16xf32>
    %mul3A_351 = arith.mulf %mul3A_350, %mul3A_346 : vector<16xf32>
    %sub3A_352 = arith.constant 1.500000e+00 : f32
    %sub3A_353 = vector.broadcast %sub3A_352 : f32 to vector<16xf32>
    %sub3A_354 = arith.subf %sub3A_353, %mul3A_351 : vector<16xf32>
    %mul3A_355 = arith.mulf %mul3A_346, %sub3A_354 : vector<16xf32>
    %mul3A_356 = arith.constant 5.000000e-01 : f32
    %mul3A_357 = vector.broadcast %mul3A_356 : f32 to vector<16xf32>
    %mul3A_358 = arith.mulf %mul3A_357, %sub3A_281 : vector<16xf32>
    %mul3A_359 = arith.mulf %mul3A_358, %mul3A_355 : vector<16xf32>
    %mul3A_360 = arith.mulf %mul3A_359, %mul3A_355 : vector<16xf32>
    %sub3A_361 = arith.constant 1.500000e+00 : f32
    %sub3A_362 = vector.broadcast %sub3A_361 : f32 to vector<16xf32>
    %sub3A_363 = arith.subf %sub3A_362, %mul3A_360 : vector<16xf32>
    %mul3A_364 = arith.mulf %mul3A_355, %sub3A_363 : vector<16xf32>
    %mul3A_365 = arith.mulf %sub3A_281, %mul3A_364 : vector<16xf32>
    %bitcast_convert_type3A_366 = tpu.bitcast %get3A_259 : vector<16xf32> -> vector<16xi32>
    %shift_right_arithmetic3A_367 = arith.constant 1 : i32
    %shift_right_arithmetic3A_368 = vector.broadcast %shift_right_arithmetic3A_367 : i32 to vector<16xi32>
    %shift_right_arithmetic3A_369 = arith.shrsi %bitcast_convert_type3A_366, %shift_right_arithmetic3A_368 : vector<16xi32>
    %sub3A_370 = arith.constant 1597463007 : i32
    %sub3A_371 = vector.broadcast %sub3A_370 : i32 to vector<16xi32>
    %sub3A_372 = arith.subi %sub3A_371, %shift_right_arithmetic3A_369 : vector<16xi32>
    %bitcast_convert_type3A_373 = tpu.bitcast %sub3A_372 : vector<16xi32> -> vector<16xf32>
    %mul3A_374 = arith.constant 5.000000e-01 : f32
    %mul3A_375 = vector.broadcast %mul3A_374 : f32 to vector<16xf32>
    %mul3A_376 = arith.mulf %mul3A_375, %get3A_259 : vector<16xf32>
    %mul3A_377 = arith.mulf %mul3A_376, %bitcast_convert_type3A_373 : vector<16xf32>
    %mul3A_378 = arith.mulf %mul3A_377, %bitcast_convert_type3A_373 : vector<16xf32>
    %sub3A_379 = arith.constant 1.500000e+00 : f32
    %sub3A_380 = vector.broadcast %sub3A_379 : f32 to vector<16xf32>
    %sub3A_381 = arith.subf %sub3A_380, %mul3A_378 : vector<16xf32>
    %mul3A_382 = arith.mulf %bitcast_convert_type3A_373, %sub3A_381 : vector<16xf32>
    %mul3A_383 = arith.constant 5.000000e-01 : f32
    %mul3A_384 = vector.broadcast %mul3A_383 : f32 to vector<16xf32>
    %mul3A_385 = arith.mulf %mul3A_384, %get3A_259 : vector<16xf32>
    %mul3A_386 = arith.mulf %mul3A_385, %mul3A_382 : vector<16xf32>
    %mul3A_387 = arith.mulf %mul3A_386, %mul3A_382 : vector<16xf32>
    %sub3A_388 = arith.constant 1.500000e+00 : f32
    %sub3A_389 = vector.broadcast %sub3A_388 : f32 to vector<16xf32>
    %sub3A_390 = arith.subf %sub3A_389, %mul3A_387 : vector<16xf32>
    %mul3A_391 = arith.mulf %mul3A_382, %sub3A_390 : vector<16xf32>
    %mul3A_392 = arith.constant 5.000000e-01 : f32
    %mul3A_393 = vector.broadcast %mul3A_392 : f32 to vector<16xf32>
    %mul3A_394 = arith.mulf %mul3A_393, %get3A_259 : vector<16xf32>
    %mul3A_395 = arith.mulf %mul3A_394, %mul3A_391 : vector<16xf32>
    %mul3A_396 = arith.mulf %mul3A_395, %mul3A_391 : vector<16xf32>
    %sub3A_397 = arith.constant 1.500000e+00 : f32
    %sub3A_398 = vector.broadcast %sub3A_397 : f32 to vector<16xf32>
    %sub3A_399 = arith.subf %sub3A_398, %mul3A_396 : vector<16xf32>
    %mul3A_400 = arith.mulf %mul3A_391, %sub3A_399 : vector<16xf32>
    %mul3A_401 = arith.mulf %get3A_259, %mul3A_400 : vector<16xf32>
    %bitcast_convert_type3A_402 = tpu.bitcast %sub3A_278 : vector<16xf32> -> vector<16xi32>
    %shift_right_arithmetic3A_403 = arith.constant 1 : i32
    %shift_right_arithmetic3A_404 = vector.broadcast %shift_right_arithmetic3A_403 : i32 to vector<16xi32>
    %shift_right_arithmetic3A_405 = arith.shrsi %bitcast_convert_type3A_402, %shift_right_arithmetic3A_404 : vector<16xi32>
    %sub3A_406 = arith.constant 1597463007 : i32
    %sub3A_407 = vector.broadcast %sub3A_406 : i32 to vector<16xi32>
    %sub3A_408 = arith.subi %sub3A_407, %shift_right_arithmetic3A_405 : vector<16xi32>
    %bitcast_convert_type3A_409 = tpu.bitcast %sub3A_408 : vector<16xi32> -> vector<16xf32>
    %mul3A_410 = arith.constant 5.000000e-01 : f32
    %mul3A_411 = vector.broadcast %mul3A_410 : f32 to vector<16xf32>
    %mul3A_412 = arith.mulf %mul3A_411, %sub3A_278 : vector<16xf32>
    %mul3A_413 = arith.mulf %mul3A_412, %bitcast_convert_type3A_409 : vector<16xf32>
    %mul3A_414 = arith.mulf %mul3A_413, %bitcast_convert_type3A_409 : vector<16xf32>
    %sub3A_415 = arith.constant 1.500000e+00 : f32
    %sub3A_416 = vector.broadcast %sub3A_415 : f32 to vector<16xf32>
    %sub3A_417 = arith.subf %sub3A_416, %mul3A_414 : vector<16xf32>
    %mul3A_418 = arith.mulf %bitcast_convert_type3A_409, %sub3A_417 : vector<16xf32>
    %mul3A_419 = arith.constant 5.000000e-01 : f32
    %mul3A_420 = vector.broadcast %mul3A_419 : f32 to vector<16xf32>
    %mul3A_421 = arith.mulf %mul3A_420, %sub3A_278 : vector<16xf32>
    %mul3A_422 = arith.mulf %mul3A_421, %mul3A_418 : vector<16xf32>
    %mul3A_423 = arith.mulf %mul3A_422, %mul3A_418 : vector<16xf32>
    %sub3A_424 = arith.constant 1.500000e+00 : f32
    %sub3A_425 = vector.broadcast %sub3A_424 : f32 to vector<16xf32>
    %sub3A_426 = arith.subf %sub3A_425, %mul3A_423 : vector<16xf32>
    %mul3A_427 = arith.mulf %mul3A_418, %sub3A_426 : vector<16xf32>
    %mul3A_428 = arith.constant 5.000000e-01 : f32
    %mul3A_429 = vector.broadcast %mul3A_428 : f32 to vector<16xf32>
    %mul3A_430 = arith.mulf %mul3A_429, %sub3A_278 : vector<16xf32>
    %mul3A_431 = arith.mulf %mul3A_430, %mul3A_427 : vector<16xf32>
    %mul3A_432 = arith.mulf %mul3A_431, %mul3A_427 : vector<16xf32>
    %sub3A_433 = arith.constant 1.500000e+00 : f32
    %sub3A_434 = vector.broadcast %sub3A_433 : f32 to vector<16xf32>
    %sub3A_435 = arith.subf %sub3A_434, %mul3A_432 : vector<16xf32>
    %mul3A_436 = arith.mulf %mul3A_427, %sub3A_435 : vector<16xf32>
    %mul3A_437 = arith.mulf %sub3A_278, %mul3A_436 : vector<16xf32>
    %mul3A_438 = arith.mulf %sub3A_278, %sub3A_278 : vector<16xf32>
    %bitcast_convert_type3A_439 = tpu.bitcast %div3A_293 : vector<16xf32> -> vector<16xi32>
    %shift_right_arithmetic3A_440 = arith.constant 1 : i32
    %shift_right_arithmetic3A_441 = vector.broadcast %shift_right_arithmetic3A_440 : i32 to vector<16xi32>
    %shift_right_arithmetic3A_442 = arith.shrsi %bitcast_convert_type3A_439, %shift_right_arithmetic3A_441 : vector<16xi32>
    %sub3A_443 = arith.constant 1597463007 : i32
    %sub3A_444 = vector.broadcast %sub3A_443 : i32 to vector<16xi32>
    %sub3A_445 = arith.subi %sub3A_444, %shift_right_arithmetic3A_442 : vector<16xi32>
    %bitcast_convert_type3A_446 = tpu.bitcast %sub3A_445 : vector<16xi32> -> vector<16xf32>
    %mul3A_447 = arith.constant 5.000000e-01 : f32
    %mul3A_448 = vector.broadcast %mul3A_447 : f32 to vector<16xf32>
    %mul3A_449 = arith.mulf %mul3A_448, %div3A_293 : vector<16xf32>
    %mul3A_450 = arith.mulf %mul3A_449, %bitcast_convert_type3A_446 : vector<16xf32>
    %mul3A_451 = arith.mulf %mul3A_450, %bitcast_convert_type3A_446 : vector<16xf32>
    %sub3A_452 = arith.constant 1.500000e+00 : f32
    %sub3A_453 = vector.broadcast %sub3A_452 : f32 to vector<16xf32>
    %sub3A_454 = arith.subf %sub3A_453, %mul3A_451 : vector<16xf32>
    %mul3A_455 = arith.mulf %bitcast_convert_type3A_446, %sub3A_454 : vector<16xf32>
    %mul3A_456 = arith.constant 5.000000e-01 : f32
    %mul3A_457 = vector.broadcast %mul3A_456 : f32 to vector<16xf32>
    %mul3A_458 = arith.mulf %mul3A_457, %div3A_293 : vector<16xf32>
    %mul3A_459 = arith.mulf %mul3A_458, %mul3A_455 : vector<16xf32>
    %mul3A_460 = arith.mulf %mul3A_459, %mul3A_455 : vector<16xf32>
    %sub3A_461 = arith.constant 1.500000e+00 : f32
    %sub3A_462 = vector.broadcast %sub3A_461 : f32 to vector<16xf32>
    %sub3A_463 = arith.subf %sub3A_462, %mul3A_460 : vector<16xf32>
    %mul3A_464 = arith.mulf %mul3A_455, %sub3A_463 : vector<16xf32>
    %mul3A_465 = arith.constant 5.000000e-01 : f32
    %mul3A_466 = vector.broadcast %mul3A_465 : f32 to vector<16xf32>
    %mul3A_467 = arith.mulf %mul3A_466, %div3A_293 : vector<16xf32>
    %mul3A_468 = arith.mulf %mul3A_467, %mul3A_464 : vector<16xf32>
    %mul3A_469 = arith.mulf %mul3A_468, %mul3A_464 : vector<16xf32>
    %sub3A_470 = arith.constant 1.500000e+00 : f32
    %sub3A_471 = vector.broadcast %sub3A_470 : f32 to vector<16xf32>
    %sub3A_472 = arith.subf %sub3A_471, %mul3A_469 : vector<16xf32>
    %mul3A_473 = arith.mulf %mul3A_464, %sub3A_472 : vector<16xf32>
    %mul3A_474 = arith.mulf %div3A_293, %mul3A_473 : vector<16xf32>
    %div3A_475 = arith.constant 1.000000e+00 : f32
    %div3A_476 = vector.broadcast %div3A_475 : f32 to vector<16xf32>
    %div3A_477 = arith.divf %div3A_476, %mul3A_329 : vector<16xf32>
    %div3A_478 = arith.constant 1.000000e+00 : f32
    %div3A_479 = vector.broadcast %div3A_478 : f32 to vector<16xf32>
    %div3A_480 = arith.divf %div3A_479, %mul3A_365 : vector<16xf32>
    %mul3A_481 = arith.mulf %sub3A_278, %sub3A_278 : vector<16xf32>
    %mul3A_482 = arith.constant 2.000000e+00 : f32
    %mul3A_483 = vector.broadcast %mul3A_482 : f32 to vector<16xf32>
    %mul3A_484 = arith.mulf %mul3A_483, %div3A_293 : vector<16xf32>
    %mul3A_485 = arith.mulf %mul3A_484, %select_n3A_275 : vector<16xf32>
    %mul3A_486 = arith.mulf %mul3A_485, %sub3A_281 : vector<16xf32>
    %div3A_487 = arith.divf %mul3A_481, %mul3A_486 : vector<16xf32>
    %swap3A_488 = arith.constant 16 : index
    %swap3A_489 = tpu.vector_load %arg7[%swap3A_488] {strides = array<i32>} : memref<896xf32, #tpu.memory_space<vmem>>, vector<16xf32>,
    tpu.vector_store %arg7[%swap3A_488], %get3A_259 {strides = array<i32>} : memref<896xf32, #tpu.memory_space<vmem>>, vector<16xf32>,
    %swap3A_490 = arith.constant 80 : index
    %swap3A_491 = tpu.vector_load %arg7[%swap3A_490] {strides = array<i32>} : memref<896xf32, #tpu.memory_space<vmem>>, vector<16xf32>,
    tpu.vector_store %arg7[%swap3A_490], %sub3A_281 {strides = array<i32>} : memref<896xf32, #tpu.memory_space<vmem>>, vector<16xf32>,
    %swap3A_492 = arith.constant 144 : index
    %swap3A_493 = tpu.vector_load %arg7[%swap3A_492] {strides = array<i32>} : memref<896xf32, #tpu.memory_space<vmem>>, vector<16xf32>,
    tpu.vector_store %arg7[%swap3A_492], %mul3A_401 {strides = array<i32>} : memref<896xf32, #tpu.memory_space<vmem>>, vector<16xf32>,
    %swap3A_494 = arith.constant 208 : index
    %swap3A_495 = tpu.vector_load %arg7[%swap3A_494] {strides = array<i32>} : memref<896xf32, #tpu.memory_space<vmem>>, vector<16xf32>,
    tpu.vector_store %arg7[%swap3A_494], %mul3A_365 {strides = array<i32>} : memref<896xf32, #tpu.memory_space<vmem>>, vector<16xf32>,
    %swap3A_496 = arith.constant 272 : index
    %swap3A_497 = tpu.vector_load %arg7[%swap3A_496] {strides = array<i32>} : memref<896xf32, #tpu.memory_space<vmem>>, vector<16xf32>,
    tpu.vector_store %arg7[%swap3A_496], %select_n3A_275 {strides = array<i32>} : memref<896xf32, #tpu.memory_space<vmem>>, vector<16xf32>,
    %swap3A_498 = arith.constant 336 : index
    %swap3A_499 = tpu.vector_load %arg7[%swap3A_498] {strides = array<i32>} : memref<896xf32, #tpu.memory_space<vmem>>, vector<16xf32>,
    tpu.vector_store %arg7[%swap3A_498], %sub3A_278 {strides = array<i32>} : memref<896xf32, #tpu.memory_space<vmem>>, vector<16xf32>,
    %swap3A_500 = arith.constant 400 : index
    %swap3A_501 = tpu.vector_load %arg7[%swap3A_500] {strides = array<i32>} : memref<896xf32, #tpu.memory_space<vmem>>, vector<16xf32>,
    tpu.vector_store %arg7[%swap3A_500], %mul3A_329 {strides = array<i32>} : memref<896xf32, #tpu.memory_space<vmem>>, vector<16xf32>,
    %swap3A_502 = arith.constant 464 : index
    %swap3A_503 = tpu.vector_load %arg7[%swap3A_502] {strides = array<i32>} : memref<896xf32, #tpu.memory_space<vmem>>, vector<16xf32>,
    tpu.vector_store %arg7[%swap3A_502], %mul3A_437 {strides = array<i32>} : memref<896xf32, #tpu.memory_space<vmem>>, vector<16xf32>,
    %swap3A_504 = arith.constant 528 : index
    %swap3A_505 = tpu.vector_load %arg7[%swap3A_504] {strides = array<i32>} : memref<896xf32, #tpu.memory_space<vmem>>, vector<16xf32>,
    tpu.vector_store %arg7[%swap3A_504], %mul3A_438 {strides = array<i32>} : memref<896xf32, #tpu.memory_space<vmem>>, vector<16xf32>,
    %swap3A_506 = arith.constant 592 : index
    %swap3A_507 = tpu.vector_load %arg7[%swap3A_506] {strides = array<i32>} : memref<896xf32, #tpu.memory_space<vmem>>, vector<16xf32>,
    tpu.vector_store %arg7[%swap3A_506], %div3A_293 {strides = array<i32>} : memref<896xf32, #tpu.memory_space<vmem>>, vector<16xf32>,
    %swap3A_508 = arith.constant 656 : index
    %swap3A_509 = tpu.vector_load %arg7[%swap3A_508] {strides = array<i32>} : memref<896xf32, #tpu.memory_space<vmem>>, vector<16xf32>,
    tpu.vector_store %arg7[%swap3A_508], %mul3A_474 {strides = array<i32>} : memref<896xf32, #tpu.memory_space<vmem>>, vector<16xf32>,
    %swap3A_510 = arith.constant 720 : index
    %swap3A_511 = tpu.vector_load %arg7[%swap3A_510] {strides = array<i32>} : memref<896xf32, #tpu.memory_space<vmem>>, vector<16xf32>,
    tpu.vector_store %arg7[%swap3A_510], %div3A_477 {strides = array<i32>} : memref<896xf32, #tpu.memory_space<vmem>>, vector<16xf32>,
    %swap3A_512 = arith.constant 784 : index
    %swap3A_513 = tpu.vector_load %arg7[%swap3A_512] {strides = array<i32>} : memref<896xf32, #tpu.memory_space<vmem>>, vector<16xf32>,
    tpu.vector_store %arg7[%swap3A_512], %div3A_480 {strides = array<i32>} : memref<896xf32, #tpu.memory_space<vmem>>, vector<16xf32>,
    %swap3A_514 = arith.constant 848 : index
    %swap3A_515 = tpu.vector_load %arg7[%swap3A_514] {strides = array<i32>} : memref<896xf32, #tpu.memory_space<vmem>>, vector<16xf32>,
    tpu.vector_store %arg7[%swap3A_514], %div3A_487 {strides = array<i32>} : memref<896xf32, #tpu.memory_space<vmem>>, vector<16xf32>,
    %iota3A_516 = tpu.iota {dimensions = array<i32: 0>} : vector<16xi32>
    %add3A_517 = arith.constant 32 : i32
    %add3A_518 = vector.broadcast %add3A_517 : i32 to vector<16xi32>
    %add3A_519 = arith.addi %iota3A_516, %add3A_518 : vector<16xi32>
    %get3A_520 = arith.constant 32 : index
    %get3A_521 = tpu.vector_load %arg5[%get3A_520] {strides = array<i32>} : memref<64xf32, #tpu.memory_space<vmem>>, vector<16xf32>,
    %sub3A_522 = arith.constant 1 : i32
    %sub3A_523 = vector.broadcast %sub3A_522 : i32 to vector<16xi32>
    %sub3A_524 = arith.subi %add3A_519, %sub3A_523 : vector<16xi32>
    %max3A_525 = arith.constant 0 : i32
    %max3A_526 = vector.broadcast %max3A_525 : i32 to vector<16xi32>
    %max3A_527 = arith.maxsi %sub3A_524, %max3A_526 : vector<16xi32>
    %gather3A_528 = tpu.vector_load_idx %arg5[%max3A_527] : memref<64xf32, #tpu.memory_space<vmem>>[vector<16xi32>], vector<16xf32>,
    %max3A_529 = arith.constant 1 : i32
    %max3A_530 = vector.broadcast %max3A_529 : i32 to vector<16xi32>
    %max3A_531 = arith.maxsi %add3A_519, %max3A_530 : vector<16xi32>
    %gather3A_532 = tpu.vector_load_idx %arg5[%max3A_531] : memref<64xf32, #tpu.memory_space<vmem>>[vector<16xi32>], vector<16xf32>,
    %eq3A_533 = arith.constant 0 : i32
    %eq3A_534 = vector.broadcast %eq3A_533 : i32 to vector<16xi32>
    %eq3A_535 = arith.cmpi eq, %add3A_519, %eq3A_534 : vector<16xi32>
    %div3A_536 = arith.divf %get3A_521, %gather3A_528 : vector<16xf32>
    %select_n3A_537 = arith.select %eq3A_535, %get3A_521, %div3A_536 : vector<16xi1>, vector<16xf32>
    %sub3A_538 = arith.constant 1.000000e+00 : f32
    %sub3A_539 = vector.broadcast %sub3A_538 : f32 to vector<16xf32>
    %sub3A_540 = arith.subf %sub3A_539, %select_n3A_537 : vector<16xf32>
    %sub3A_541 = arith.constant 1.000000e+00 : f32
    %sub3A_542 = vector.broadcast %sub3A_541 : f32 to vector<16xf32>
    %sub3A_543 = arith.subf %sub3A_542, %get3A_521 : vector<16xf32>
    %div3A_544 = arith.divf %gather3A_532, %gather3A_528 : vector<16xf32>
    %sub3A_545 = arith.constant 1.000000e+00 : f32
    %sub3A_546 = vector.broadcast %sub3A_545 : f32 to vector<16xf32>
    %sub3A_547 = arith.subf %sub3A_546, %div3A_544 : vector<16xf32>
    %sub3A_548 = arith.constant 1.000000e+00 : f32
    %sub3A_549 = vector.broadcast %sub3A_548 : f32 to vector<16xf32>
    %sub3A_550 = arith.subf %sub3A_549, %gather3A_528 : vector<16xf32>
    %mul3A_551 = arith.mulf %sub3A_547, %sub3A_550 : vector<16xf32>
    %sub3A_552 = arith.constant 1.000000e+00 : f32
    %sub3A_553 = vector.broadcast %sub3A_552 : f32 to vector<16xf32>
    %sub3A_554 = arith.subf %sub3A_553, %gather3A_532 : vector<16xf32>
    %div3A_555 = arith.divf %mul3A_551, %sub3A_554 : vector<16xf32>
    %bitcast_convert_type3A_556 = tpu.bitcast %select_n3A_537 : vector<16xf32> -> vector<16xi32>
    %shift_right_arithmetic3A_557 = arith.constant 1 : i32
    %shift_right_arithmetic3A_558 = vector.broadcast %shift_right_arithmetic3A_557 : i32 to vector<16xi32>
    %shift_right_arithmetic3A_559 = arith.shrsi %bitcast_convert_type3A_556, %shift_right_arithmetic3A_558 : vector<16xi32>
    %sub3A_560 = arith.constant 1597463007 : i32
    %sub3A_561 = vector.broadcast %sub3A_560 : i32 to vector<16xi32>
    %sub3A_562 = arith.subi %sub3A_561, %shift_right_arithmetic3A_559 : vector<16xi32>
    %bitcast_convert_type3A_563 = tpu.bitcast %sub3A_562 : vector<16xi32> -> vector<16xf32>
    %mul3A_564 = arith.constant 5.000000e-01 : f32
    %mul3A_565 = vector.broadcast %mul3A_564 : f32 to vector<16xf32>
    %mul3A_566 = arith.mulf %mul3A_565, %select_n3A_537 : vector<16xf32>
    %mul3A_567 = arith.mulf %mul3A_566, %bitcast_convert_type3A_563 : vector<16xf32>
    %mul3A_568 = arith.mulf %mul3A_567, %bitcast_convert_type3A_563 : vector<16xf32>
    %sub3A_569 = arith.constant 1.500000e+00 : f32
    %sub3A_570 = vector.broadcast %sub3A_569 : f32 to vector<16xf32>
    %sub3A_571 = arith.subf %sub3A_570, %mul3A_568 : vector<16xf32>
    %mul3A_572 = arith.mulf %bitcast_convert_type3A_563, %sub3A_571 : vector<16xf32>
    %mul3A_573 = arith.constant 5.000000e-01 : f32
    %mul3A_574 = vector.broadcast %mul3A_573 : f32 to vector<16xf32>
    %mul3A_575 = arith.mulf %mul3A_574, %select_n3A_537 : vector<16xf32>
    %mul3A_576 = arith.mulf %mul3A_575, %mul3A_572 : vector<16xf32>
    %mul3A_577 = arith.mulf %mul3A_576, %mul3A_572 : vector<16xf32>
    %sub3A_578 = arith.constant 1.500000e+00 : f32
    %sub3A_579 = vector.broadcast %sub3A_578 : f32 to vector<16xf32>
    %sub3A_580 = arith.subf %sub3A_579, %mul3A_577 : vector<16xf32>
    %mul3A_581 = arith.mulf %mul3A_572, %sub3A_580 : vector<16xf32>
    %mul3A_582 = arith.constant 5.000000e-01 : f32
    %mul3A_583 = vector.broadcast %mul3A_582 : f32 to vector<16xf32>
    %mul3A_584 = arith.mulf %mul3A_583, %select_n3A_537 : vector<16xf32>
    %mul3A_585 = arith.mulf %mul3A_584, %mul3A_581 : vector<16xf32>
    %mul3A_586 = arith.mulf %mul3A_585, %mul3A_581 : vector<16xf32>
    %sub3A_587 = arith.constant 1.500000e+00 : f32
    %sub3A_588 = vector.broadcast %sub3A_587 : f32 to vector<16xf32>
    %sub3A_589 = arith.subf %sub3A_588, %mul3A_586 : vector<16xf32>
    %mul3A_590 = arith.mulf %mul3A_581, %sub3A_589 : vector<16xf32>
    %mul3A_591 = arith.mulf %select_n3A_537, %mul3A_590 : vector<16xf32>
    %bitcast_convert_type3A_592 = tpu.bitcast %sub3A_543 : vector<16xf32> -> vector<16xi32>
    %shift_right_arithmetic3A_593 = arith.constant 1 : i32
    %shift_right_arithmetic3A_594 = vector.broadcast %shift_right_arithmetic3A_593 : i32 to vector<16xi32>
    %shift_right_arithmetic3A_595 = arith.shrsi %bitcast_convert_type3A_592, %shift_right_arithmetic3A_594 : vector<16xi32>
    %sub3A_596 = arith.constant 1597463007 : i32
    %sub3A_597 = vector.broadcast %sub3A_596 : i32 to vector<16xi32>
    %sub3A_598 = arith.subi %sub3A_597, %shift_right_arithmetic3A_595 : vector<16xi32>
    %bitcast_convert_type3A_599 = tpu.bitcast %sub3A_598 : vector<16xi32> -> vector<16xf32>
    %mul3A_600 = arith.constant 5.000000e-01 : f32
    %mul3A_601 = vector.broadcast %mul3A_600 : f32 to vector<16xf32>
    %mul3A_602 = arith.mulf %mul3A_601, %sub3A_543 : vector<16xf32>
    %mul3A_603 = arith.mulf %mul3A_602, %bitcast_convert_type3A_599 : vector<16xf32>
    %mul3A_604 = arith.mulf %mul3A_603, %bitcast_convert_type3A_599 : vector<16xf32>
    %sub3A_605 = arith.constant 1.500000e+00 : f32
    %sub3A_606 = vector.broadcast %sub3A_605 : f32 to vector<16xf32>
    %sub3A_607 = arith.subf %sub3A_606, %mul3A_604 : vector<16xf32>
    %mul3A_608 = arith.mulf %bitcast_convert_type3A_599, %sub3A_607 : vector<16xf32>
    %mul3A_609 = arith.constant 5.000000e-01 : f32
    %mul3A_610 = vector.broadcast %mul3A_609 : f32 to vector<16xf32>
    %mul3A_611 = arith.mulf %mul3A_610, %sub3A_543 : vector<16xf32>
    %mul3A_612 = arith.mulf %mul3A_611, %mul3A_608 : vector<16xf32>
    %mul3A_613 = arith.mulf %mul3A_612, %mul3A_608 : vector<16xf32>
    %sub3A_614 = arith.constant 1.500000e+00 : f32
    %sub3A_615 = vector.broadcast %sub3A_614 : f32 to vector<16xf32>
    %sub3A_616 = arith.subf %sub3A_615, %mul3A_613 : vector<16xf32>
    %mul3A_617 = arith.mulf %mul3A_608, %sub3A_616 : vector<16xf32>
    %mul3A_618 = arith.constant 5.000000e-01 : f32
    %mul3A_619 = vector.broadcast %mul3A_618 : f32 to vector<16xf32>
    %mul3A_620 = arith.mulf %mul3A_619, %sub3A_543 : vector<16xf32>
    %mul3A_621 = arith.mulf %mul3A_620, %mul3A_617 : vector<16xf32>
    %mul3A_622 = arith.mulf %mul3A_621, %mul3A_617 : vector<16xf32>
    %sub3A_623 = arith.constant 1.500000e+00 : f32
    %sub3A_624 = vector.broadcast %sub3A_623 : f32 to vector<16xf32>
    %sub3A_625 = arith.subf %sub3A_624, %mul3A_622 : vector<16xf32>
    %mul3A_626 = arith.mulf %mul3A_617, %sub3A_625 : vector<16xf32>
    %mul3A_627 = arith.mulf %sub3A_543, %mul3A_626 : vector<16xf32>
    %bitcast_convert_type3A_628 = tpu.bitcast %get3A_521 : vector<16xf32> -> vector<16xi32>
    %shift_right_arithmetic3A_629 = arith.constant 1 : i32
    %shift_right_arithmetic3A_630 = vector.broadcast %shift_right_arithmetic3A_629 : i32 to vector<16xi32>
    %shift_right_arithmetic3A_631 = arith.shrsi %bitcast_convert_type3A_628, %shift_right_arithmetic3A_630 : vector<16xi32>
    %sub3A_632 = arith.constant 1597463007 : i32
    %sub3A_633 = vector.broadcast %sub3A_632 : i32 to vector<16xi32>
    %sub3A_634 = arith.subi %sub3A_633, %shift_right_arithmetic3A_631 : vector<16xi32>
    %bitcast_convert_type3A_635 = tpu.bitcast %sub3A_634 : vector<16xi32> -> vector<16xf32>
    %mul3A_636 = arith.constant 5.000000e-01 : f32
    %mul3A_637 = vector.broadcast %mul3A_636 : f32 to vector<16xf32>
    %mul3A_638 = arith.mulf %mul3A_637, %get3A_521 : vector<16xf32>
    %mul3A_639 = arith.mulf %mul3A_638, %bitcast_convert_type3A_635 : vector<16xf32>
    %mul3A_640 = arith.mulf %mul3A_639, %bitcast_convert_type3A_635 : vector<16xf32>
    %sub3A_641 = arith.constant 1.500000e+00 : f32
    %sub3A_642 = vector.broadcast %sub3A_641 : f32 to vector<16xf32>
    %sub3A_643 = arith.subf %sub3A_642, %mul3A_640 : vector<16xf32>
    %mul3A_644 = arith.mulf %bitcast_convert_type3A_635, %sub3A_643 : vector<16xf32>
    %mul3A_645 = arith.constant 5.000000e-01 : f32
    %mul3A_646 = vector.broadcast %mul3A_645 : f32 to vector<16xf32>
    %mul3A_647 = arith.mulf %mul3A_646, %get3A_521 : vector<16xf32>
    %mul3A_648 = arith.mulf %mul3A_647, %mul3A_644 : vector<16xf32>
    %mul3A_649 = arith.mulf %mul3A_648, %mul3A_644 : vector<16xf32>
    %sub3A_650 = arith.constant 1.500000e+00 : f32
    %sub3A_651 = vector.broadcast %sub3A_650 : f32 to vector<16xf32>
    %sub3A_652 = arith.subf %sub3A_651, %mul3A_649 : vector<16xf32>
    %mul3A_653 = arith.mulf %mul3A_644, %sub3A_652 : vector<16xf32>
    %mul3A_654 = arith.constant 5.000000e-01 : f32
    %mul3A_655 = vector.broadcast %mul3A_654 : f32 to vector<16xf32>
    %mul3A_656 = arith.mulf %mul3A_655, %get3A_521 : vector<16xf32>
    %mul3A_657 = arith.mulf %mul3A_656, %mul3A_653 : vector<16xf32>
    %mul3A_658 = arith.mulf %mul3A_657, %mul3A_653 : vector<16xf32>
    %sub3A_659 = arith.constant 1.500000e+00 : f32
    %sub3A_660 = vector.broadcast %sub3A_659 : f32 to vector<16xf32>
    %sub3A_661 = arith.subf %sub3A_660, %mul3A_658 : vector<16xf32>
    %mul3A_662 = arith.mulf %mul3A_653, %sub3A_661 : vector<16xf32>
    %mul3A_663 = arith.mulf %get3A_521, %mul3A_662 : vector<16xf32>
    %bitcast_convert_type3A_664 = tpu.bitcast %sub3A_540 : vector<16xf32> -> vector<16xi32>
    %shift_right_arithmetic3A_665 = arith.constant 1 : i32
    %shift_right_arithmetic3A_666 = vector.broadcast %shift_right_arithmetic3A_665 : i32 to vector<16xi32>
    %shift_right_arithmetic3A_667 = arith.shrsi %bitcast_convert_type3A_664, %shift_right_arithmetic3A_666 : vector<16xi32>
    %sub3A_668 = arith.constant 1597463007 : i32
    %sub3A_669 = vector.broadcast %sub3A_668 : i32 to vector<16xi32>
    %sub3A_670 = arith.subi %sub3A_669, %shift_right_arithmetic3A_667 : vector<16xi32>
    %bitcast_convert_type3A_671 = tpu.bitcast %sub3A_670 : vector<16xi32> -> vector<16xf32>
    %mul3A_672 = arith.constant 5.000000e-01 : f32
    %mul3A_673 = vector.broadcast %mul3A_672 : f32 to vector<16xf32>
    %mul3A_674 = arith.mulf %mul3A_673, %sub3A_540 : vector<16xf32>
    %mul3A_675 = arith.mulf %mul3A_674, %bitcast_convert_type3A_671 : vector<16xf32>
    %mul3A_676 = arith.mulf %mul3A_675, %bitcast_convert_type3A_671 : vector<16xf32>
    %sub3A_677 = arith.constant 1.500000e+00 : f32
    %sub3A_678 = vector.broadcast %sub3A_677 : f32 to vector<16xf32>
    %sub3A_679 = arith.subf %sub3A_678, %mul3A_676 : vector<16xf32>
    %mul3A_680 = arith.mulf %bitcast_convert_type3A_671, %sub3A_679 : vector<16xf32>
    %mul3A_681 = arith.constant 5.000000e-01 : f32
    %mul3A_682 = vector.broadcast %mul3A_681 : f32 to vector<16xf32>
    %mul3A_683 = arith.mulf %mul3A_682, %sub3A_540 : vector<16xf32>
    %mul3A_684 = arith.mulf %mul3A_683, %mul3A_680 : vector<16xf32>
    %mul3A_685 = arith.mulf %mul3A_684, %mul3A_680 : vector<16xf32>
    %sub3A_686 = arith.constant 1.500000e+00 : f32
    %sub3A_687 = vector.broadcast %sub3A_686 : f32 to vector<16xf32>
    %sub3A_688 = arith.subf %sub3A_687, %mul3A_685 : vector<16xf32>
    %mul3A_689 = arith.mulf %mul3A_680, %sub3A_688 : vector<16xf32>
    %mul3A_690 = arith.constant 5.000000e-01 : f32
    %mul3A_691 = vector.broadcast %mul3A_690 : f32 to vector<16xf32>
    %mul3A_692 = arith.mulf %mul3A_691, %sub3A_540 : vector<16xf32>
    %mul3A_693 = arith.mulf %mul3A_692, %mul3A_689 : vector<16xf32>
    %mul3A_694 = arith.mulf %mul3A_693, %mul3A_689 : vector<16xf32>
    %sub3A_695 = arith.constant 1.500000e+00 : f32
    %sub3A_696 = vector.broadcast %sub3A_695 : f32 to vector<16xf32>
    %sub3A_697 = arith.subf %sub3A_696, %mul3A_694 : vector<16xf32>
    %mul3A_698 = arith.mulf %mul3A_689, %sub3A_697 : vector<16xf32>
    %mul3A_699 = arith.mulf %sub3A_540, %mul3A_698 : vector<16xf32>
    %mul3A_700 = arith.mulf %sub3A_540, %sub3A_540 : vector<16xf32>
    %bitcast_convert_type3A_701 = tpu.bitcast %div3A_555 : vector<16xf32> -> vector<16xi32>
    %shift_right_arithmetic3A_702 = arith.constant 1 : i32
    %shift_right_arithmetic3A_703 = vector.broadcast %shift_right_arithmetic3A_702 : i32 to vector<16xi32>
    %shift_right_arithmetic3A_704 = arith.shrsi %bitcast_convert_type3A_701, %shift_right_arithmetic3A_703 : vector<16xi32>
    %sub3A_705 = arith.constant 1597463007 : i32
    %sub3A_706 = vector.broadcast %sub3A_705 : i32 to vector<16xi32>
    %sub3A_707 = arith.subi %sub3A_706, %shift_right_arithmetic3A_704 : vector<16xi32>
    %bitcast_convert_type3A_708 = tpu.bitcast %sub3A_707 : vector<16xi32> -> vector<16xf32>
    %mul3A_709 = arith.constant 5.000000e-01 : f32
    %mul3A_710 = vector.broadcast %mul3A_709 : f32 to vector<16xf32>
    %mul3A_711 = arith.mulf %mul3A_710, %div3A_555 : vector<16xf32>
    %mul3A_712 = arith.mulf %mul3A_711, %bitcast_convert_type3A_708 : vector<16xf32>
    %mul3A_713 = arith.mulf %mul3A_712, %bitcast_convert_type3A_708 : vector<16xf32>
    %sub3A_714 = arith.constant 1.500000e+00 : f32
    %sub3A_715 = vector.broadcast %sub3A_714 : f32 to vector<16xf32>
    %sub3A_716 = arith.subf %sub3A_715, %mul3A_713 : vector<16xf32>
    %mul3A_717 = arith.mulf %bitcast_convert_type3A_708, %sub3A_716 : vector<16xf32>
    %mul3A_718 = arith.constant 5.000000e-01 : f32
    %mul3A_719 = vector.broadcast %mul3A_718 : f32 to vector<16xf32>
    %mul3A_720 = arith.mulf %mul3A_719, %div3A_555 : vector<16xf32>
    %mul3A_721 = arith.mulf %mul3A_720, %mul3A_717 : vector<16xf32>
    %mul3A_722 = arith.mulf %mul3A_721, %mul3A_717 : vector<16xf32>
    %sub3A_723 = arith.constant 1.500000e+00 : f32
    %sub3A_724 = vector.broadcast %sub3A_723 : f32 to vector<16xf32>
    %sub3A_725 = arith.subf %sub3A_724, %mul3A_722 : vector<16xf32>
    %mul3A_726 = arith.mulf %mul3A_717, %sub3A_725 : vector<16xf32>
    %mul3A_727 = arith.constant 5.000000e-01 : f32
    %mul3A_728 = vector.broadcast %mul3A_727 : f32 to vector<16xf32>
    %mul3A_729 = arith.mulf %mul3A_728, %div3A_555 : vector<16xf32>
    %mul3A_730 = arith.mulf %mul3A_729, %mul3A_726 : vector<16xf32>
    %mul3A_731 = arith.mulf %mul3A_730, %mul3A_726 : vector<16xf32>
    %sub3A_732 = arith.constant 1.500000e+00 : f32
    %sub3A_733 = vector.broadcast %sub3A_732 : f32 to vector<16xf32>
    %sub3A_734 = arith.subf %sub3A_733, %mul3A_731 : vector<16xf32>
    %mul3A_735 = arith.mulf %mul3A_726, %sub3A_734 : vector<16xf32>
    %mul3A_736 = arith.mulf %div3A_555, %mul3A_735 : vector<16xf32>
    %div3A_737 = arith.constant 1.000000e+00 : f32
    %div3A_738 = vector.broadcast %div3A_737 : f32 to vector<16xf32>
    %div3A_739 = arith.divf %div3A_738, %mul3A_591 : vector<16xf32>
    %div3A_740 = arith.constant 1.000000e+00 : f32
    %div3A_741 = vector.broadcast %div3A_740 : f32 to vector<16xf32>
    %div3A_742 = arith.divf %div3A_741, %mul3A_627 : vector<16xf32>
    %mul3A_743 = arith.mulf %sub3A_540, %sub3A_540 : vector<16xf32>
    %mul3A_744 = arith.constant 2.000000e+00 : f32
    %mul3A_745 = vector.broadcast %mul3A_744 : f32 to vector<16xf32>
    %mul3A_746 = arith.mulf %mul3A_745, %div3A_555 : vector<16xf32>
    %mul3A_747 = arith.mulf %mul3A_746, %select_n3A_537 : vector<16xf32>
    %mul3A_748 = arith.mulf %mul3A_747, %sub3A_543 : vector<16xf32>
    %div3A_749 = arith.divf %mul3A_743, %mul3A_748 : vector<16xf32>
    %swap3A_750 = arith.constant 32 : index
    %swap3A_751 = tpu.vector_load %arg7[%swap3A_750] {strides = array<i32>} : memref<896xf32, #tpu.memory_space<vmem>>, vector<16xf32>,
    tpu.vector_store %arg7[%swap3A_750], %get3A_521 {strides = array<i32>} : memref<896xf32, #tpu.memory_space<vmem>>, vector<16xf32>,
    %swap3A_752 = arith.constant 96 : index
    %swap3A_753 = tpu.vector_load %arg7[%swap3A_752] {strides = array<i32>} : memref<896xf32, #tpu.memory_space<vmem>>, vector<16xf32>,
    tpu.vector_store %arg7[%swap3A_752], %sub3A_543 {strides = array<i32>} : memref<896xf32, #tpu.memory_space<vmem>>, vector<16xf32>,
    %swap3A_754 = arith.constant 160 : index
    %swap3A_755 = tpu.vector_load %arg7[%swap3A_754] {strides = array<i32>} : memref<896xf32, #tpu.memory_space<vmem>>, vector<16xf32>,
    tpu.vector_store %arg7[%swap3A_754], %mul3A_663 {strides = array<i32>} : memref<896xf32, #tpu.memory_space<vmem>>, vector<16xf32>,
    %swap3A_756 = arith.constant 224 : index
    %swap3A_757 = tpu.vector_load %arg7[%swap3A_756] {strides = array<i32>} : memref<896xf32, #tpu.memory_space<vmem>>, vector<16xf32>,
    tpu.vector_store %arg7[%swap3A_756], %mul3A_627 {strides = array<i32>} : memref<896xf32, #tpu.memory_space<vmem>>, vector<16xf32>,
    %swap3A_758 = arith.constant 288 : index
    %swap3A_759 = tpu.vector_load %arg7[%swap3A_758] {strides = array<i32>} : memref<896xf32, #tpu.memory_space<vmem>>, vector<16xf32>,
    tpu.vector_store %arg7[%swap3A_758], %select_n3A_537 {strides = array<i32>} : memref<896xf32, #tpu.memory_space<vmem>>, vector<16xf32>,
    %swap3A_760 = arith.constant 352 : index
    %swap3A_761 = tpu.vector_load %arg7[%swap3A_760] {strides = array<i32>} : memref<896xf32, #tpu.memory_space<vmem>>, vector<16xf32>,
    tpu.vector_store %arg7[%swap3A_760], %sub3A_540 {strides = array<i32>} : memref<896xf32, #tpu.memory_space<vmem>>, vector<16xf32>,
    %swap3A_762 = arith.constant 416 : index
    %swap3A_763 = tpu.vector_load %arg7[%swap3A_762] {strides = array<i32>} : memref<896xf32, #tpu.memory_space<vmem>>, vector<16xf32>,
    tpu.vector_store %arg7[%swap3A_762], %mul3A_591 {strides = array<i32>} : memref<896xf32, #tpu.memory_space<vmem>>, vector<16xf32>,
    %swap3A_764 = arith.constant 480 : index
    %swap3A_765 = tpu.vector_load %arg7[%swap3A_764] {strides = array<i32>} : memref<896xf32, #tpu.memory_space<vmem>>, vector<16xf32>,
    tpu.vector_store %arg7[%swap3A_764], %mul3A_699 {strides = array<i32>} : memref<896xf32, #tpu.memory_space<vmem>>, vector<16xf32>,
    %swap3A_766 = arith.constant 544 : index
    %swap3A_767 = tpu.vector_load %arg7[%swap3A_766] {strides = array<i32>} : memref<896xf32, #tpu.memory_space<vmem>>, vector<16xf32>,
    tpu.vector_store %arg7[%swap3A_766], %mul3A_700 {strides = array<i32>} : memref<896xf32, #tpu.memory_space<vmem>>, vector<16xf32>,
    %swap3A_768 = arith.constant 608 : index
    %swap3A_769 = tpu.vector_load %arg7[%swap3A_768] {strides = array<i32>} : memref<896xf32, #tpu.memory_space<vmem>>, vector<16xf32>,
    tpu.vector_store %arg7[%swap3A_768], %div3A_555 {strides = array<i32>} : memref<896xf32, #tpu.memory_space<vmem>>, vector<16xf32>,
    %swap3A_770 = arith.constant 672 : index
    %swap3A_771 = tpu.vector_load %arg7[%swap3A_770] {strides = array<i32>} : memref<896xf32, #tpu.memory_space<vmem>>, vector<16xf32>,
    tpu.vector_store %arg7[%swap3A_770], %mul3A_736 {strides = array<i32>} : memref<896xf32, #tpu.memory_space<vmem>>, vector<16xf32>,
    %swap3A_772 = arith.constant 736 : index
    %swap3A_773 = tpu.vector_load %arg7[%swap3A_772] {strides = array<i32>} : memref<896xf32, #tpu.memory_space<vmem>>, vector<16xf32>,
    tpu.vector_store %arg7[%swap3A_772], %div3A_739 {strides = array<i32>} : memref<896xf32, #tpu.memory_space<vmem>>, vector<16xf32>,
    %swap3A_774 = arith.constant 800 : index
    %swap3A_775 = tpu.vector_load %arg7[%swap3A_774] {strides = array<i32>} : memref<896xf32, #tpu.memory_space<vmem>>, vector<16xf32>,
    tpu.vector_store %arg7[%swap3A_774], %div3A_742 {strides = array<i32>} : memref<896xf32, #tpu.memory_space<vmem>>, vector<16xf32>,
    %swap3A_776 = arith.constant 864 : index
    %swap3A_777 = tpu.vector_load %arg7[%swap3A_776] {strides = array<i32>} : memref<896xf32, #tpu.memory_space<vmem>>, vector<16xf32>,
    tpu.vector_store %arg7[%swap3A_776], %div3A_749 {strides = array<i32>} : memref<896xf32, #tpu.memory_space<vmem>>, vector<16xf32>,
    %iota3A_778 = tpu.iota {dimensions = array<i32: 0>} : vector<16xi32>
    %add3A_779 = arith.constant 48 : i32
    %add3A_780 = vector.broadcast %add3A_779 : i32 to vector<16xi32>
    %add3A_781 = arith.addi %iota3A_778, %add3A_780 : vector<16xi32>
    %get3A_782 = arith.constant 48 : index
    %get3A_783 = tpu.vector_load %arg5[%get3A_782] {strides = array<i32>} : memref<64xf32, #tpu.memory_space<vmem>>, vector<16xf32>,
    %sub3A_784 = arith.constant 1 : i32
    %sub3A_785 = vector.broadcast %sub3A_784 : i32 to vector<16xi32>
    %sub3A_786 = arith.subi %add3A_781, %sub3A_785 : vector<16xi32>
    %max3A_787 = arith.constant 0 : i32
    %max3A_788 = vector.broadcast %max3A_787 : i32 to vector<16xi32>
    %max3A_789 = arith.maxsi %sub3A_786, %max3A_788 : vector<16xi32>
    %gather3A_790 = tpu.vector_load_idx %arg5[%max3A_789] : memref<64xf32, #tpu.memory_space<vmem>>[vector<16xi32>], vector<16xf32>,
    %max3A_791 = arith.constant 1 : i32
    %max3A_792 = vector.broadcast %max3A_791 : i32 to vector<16xi32>
    %max3A_793 = arith.maxsi %add3A_781, %max3A_792 : vector<16xi32>
    %gather3A_794 = tpu.vector_load_idx %arg5[%max3A_793] : memref<64xf32, #tpu.memory_space<vmem>>[vector<16xi32>], vector<16xf32>,
    %eq3A_795 = arith.constant 0 : i32
    %eq3A_796 = vector.broadcast %eq3A_795 : i32 to vector<16xi32>
    %eq3A_797 = arith.cmpi eq, %add3A_781, %eq3A_796 : vector<16xi32>
    %div3A_798 = arith.divf %get3A_783, %gather3A_790 : vector<16xf32>
    %select_n3A_799 = arith.select %eq3A_797, %get3A_783, %div3A_798 : vector<16xi1>, vector<16xf32>
    %sub3A_800 = arith.constant 1.000000e+00 : f32
    %sub3A_801 = vector.broadcast %sub3A_800 : f32 to vector<16xf32>
    %sub3A_802 = arith.subf %sub3A_801, %select_n3A_799 : vector<16xf32>
    %sub3A_803 = arith.constant 1.000000e+00 : f32
    %sub3A_804 = vector.broadcast %sub3A_803 : f32 to vector<16xf32>
    %sub3A_805 = arith.subf %sub3A_804, %get3A_783 : vector<16xf32>
    %div3A_806 = arith.divf %gather3A_794, %gather3A_790 : vector<16xf32>
    %sub3A_807 = arith.constant 1.000000e+00 : f32
    %sub3A_808 = vector.broadcast %sub3A_807 : f32 to vector<16xf32>
    %sub3A_809 = arith.subf %sub3A_808, %div3A_806 : vector<16xf32>
    %sub3A_810 = arith.constant 1.000000e+00 : f32
    %sub3A_811 = vector.broadcast %sub3A_810 : f32 to vector<16xf32>
    %sub3A_812 = arith.subf %sub3A_811, %gather3A_790 : vector<16xf32>
    %mul3A_813 = arith.mulf %sub3A_809, %sub3A_812 : vector<16xf32>
    %sub3A_814 = arith.constant 1.000000e+00 : f32
    %sub3A_815 = vector.broadcast %sub3A_814 : f32 to vector<16xf32>
    %sub3A_816 = arith.subf %sub3A_815, %gather3A_794 : vector<16xf32>
    %div3A_817 = arith.divf %mul3A_813, %sub3A_816 : vector<16xf32>
    %bitcast_convert_type3A_818 = tpu.bitcast %select_n3A_799 : vector<16xf32> -> vector<16xi32>
    %shift_right_arithmetic3A_819 = arith.constant 1 : i32
    %shift_right_arithmetic3A_820 = vector.broadcast %shift_right_arithmetic3A_819 : i32 to vector<16xi32>
    %shift_right_arithmetic3A_821 = arith.shrsi %bitcast_convert_type3A_818, %shift_right_arithmetic3A_820 : vector<16xi32>
    %sub3A_822 = arith.constant 1597463007 : i32
    %sub3A_823 = vector.broadcast %sub3A_822 : i32 to vector<16xi32>
    %sub3A_824 = arith.subi %sub3A_823, %shift_right_arithmetic3A_821 : vector<16xi32>
    %bitcast_convert_type3A_825 = tpu.bitcast %sub3A_824 : vector<16xi32> -> vector<16xf32>
    %mul3A_826 = arith.constant 5.000000e-01 : f32
    %mul3A_827 = vector.broadcast %mul3A_826 : f32 to vector<16xf32>
    %mul3A_828 = arith.mulf %mul3A_827, %select_n3A_799 : vector<16xf32>
    %mul3A_829 = arith.mulf %mul3A_828, %bitcast_convert_type3A_825 : vector<16xf32>
    %mul3A_830 = arith.mulf %mul3A_829, %bitcast_convert_type3A_825 : vector<16xf32>
    %sub3A_831 = arith.constant 1.500000e+00 : f32
    %sub3A_832 = vector.broadcast %sub3A_831 : f32 to vector<16xf32>
    %sub3A_833 = arith.subf %sub3A_832, %mul3A_830 : vector<16xf32>
    %mul3A_834 = arith.mulf %bitcast_convert_type3A_825, %sub3A_833 : vector<16xf32>
    %mul3A_835 = arith.constant 5.000000e-01 : f32
    %mul3A_836 = vector.broadcast %mul3A_835 : f32 to vector<16xf32>
    %mul3A_837 = arith.mulf %mul3A_836, %select_n3A_799 : vector<16xf32>
    %mul3A_838 = arith.mulf %mul3A_837, %mul3A_834 : vector<16xf32>
    %mul3A_839 = arith.mulf %mul3A_838, %mul3A_834 : vector<16xf32>
    %sub3A_840 = arith.constant 1.500000e+00 : f32
    %sub3A_841 = vector.broadcast %sub3A_840 : f32 to vector<16xf32>
    %sub3A_842 = arith.subf %sub3A_841, %mul3A_839 : vector<16xf32>
    %mul3A_843 = arith.mulf %mul3A_834, %sub3A_842 : vector<16xf32>
    %mul3A_844 = arith.constant 5.000000e-01 : f32
    %mul3A_845 = vector.broadcast %mul3A_844 : f32 to vector<16xf32>
    %mul3A_846 = arith.mulf %mul3A_845, %select_n3A_799 : vector<16xf32>
    %mul3A_847 = arith.mulf %mul3A_846, %mul3A_843 : vector<16xf32>
    %mul3A_848 = arith.mulf %mul3A_847, %mul3A_843 : vector<16xf32>
    %sub3A_849 = arith.constant 1.500000e+00 : f32
    %sub3A_850 = vector.broadcast %sub3A_849 : f32 to vector<16xf32>
    %sub3A_851 = arith.subf %sub3A_850, %mul3A_848 : vector<16xf32>
    %mul3A_852 = arith.mulf %mul3A_843, %sub3A_851 : vector<16xf32>
    %mul3A_853 = arith.mulf %select_n3A_799, %mul3A_852 : vector<16xf32>
    %bitcast_convert_type3A_854 = tpu.bitcast %sub3A_805 : vector<16xf32> -> vector<16xi32>
    %shift_right_arithmetic3A_855 = arith.constant 1 : i32
    %shift_right_arithmetic3A_856 = vector.broadcast %shift_right_arithmetic3A_855 : i32 to vector<16xi32>
    %shift_right_arithmetic3A_857 = arith.shrsi %bitcast_convert_type3A_854, %shift_right_arithmetic3A_856 : vector<16xi32>
    %sub3A_858 = arith.constant 1597463007 : i32
    %sub3A_859 = vector.broadcast %sub3A_858 : i32 to vector<16xi32>
    %sub3A_860 = arith.subi %sub3A_859, %shift_right_arithmetic3A_857 : vector<16xi32>
    %bitcast_convert_type3A_861 = tpu.bitcast %sub3A_860 : vector<16xi32> -> vector<16xf32>
    %mul3A_862 = arith.constant 5.000000e-01 : f32
    %mul3A_863 = vector.broadcast %mul3A_862 : f32 to vector<16xf32>
    %mul3A_864 = arith.mulf %mul3A_863, %sub3A_805 : vector<16xf32>
    %mul3A_865 = arith.mulf %mul3A_864, %bitcast_convert_type3A_861 : vector<16xf32>
    %mul3A_866 = arith.mulf %mul3A_865, %bitcast_convert_type3A_861 : vector<16xf32>
    %sub3A_867 = arith.constant 1.500000e+00 : f32
    %sub3A_868 = vector.broadcast %sub3A_867 : f32 to vector<16xf32>
    %sub3A_869 = arith.subf %sub3A_868, %mul3A_866 : vector<16xf32>
    %mul3A_870 = arith.mulf %bitcast_convert_type3A_861, %sub3A_869 : vector<16xf32>
    %mul3A_871 = arith.constant 5.000000e-01 : f32
    %mul3A_872 = vector.broadcast %mul3A_871 : f32 to vector<16xf32>
    %mul3A_873 = arith.mulf %mul3A_872, %sub3A_805 : vector<16xf32>
    %mul3A_874 = arith.mulf %mul3A_873, %mul3A_870 : vector<16xf32>
    %mul3A_875 = arith.mulf %mul3A_874, %mul3A_870 : vector<16xf32>
    %sub3A_876 = arith.constant 1.500000e+00 : f32
    %sub3A_877 = vector.broadcast %sub3A_876 : f32 to vector<16xf32>
    %sub3A_878 = arith.subf %sub3A_877, %mul3A_875 : vector<16xf32>
    %mul3A_879 = arith.mulf %mul3A_870, %sub3A_878 : vector<16xf32>
    %mul3A_880 = arith.constant 5.000000e-01 : f32
    %mul3A_881 = vector.broadcast %mul3A_880 : f32 to vector<16xf32>
    %mul3A_882 = arith.mulf %mul3A_881, %sub3A_805 : vector<16xf32>
    %mul3A_883 = arith.mulf %mul3A_882, %mul3A_879 : vector<16xf32>
    %mul3A_884 = arith.mulf %mul3A_883, %mul3A_879 : vector<16xf32>
    %sub3A_885 = arith.constant 1.500000e+00 : f32
    %sub3A_886 = vector.broadcast %sub3A_885 : f32 to vector<16xf32>
    %sub3A_887 = arith.subf %sub3A_886, %mul3A_884 : vector<16xf32>
    %mul3A_888 = arith.mulf %mul3A_879, %sub3A_887 : vector<16xf32>
    %mul3A_889 = arith.mulf %sub3A_805, %mul3A_888 : vector<16xf32>
    %bitcast_convert_type3A_890 = tpu.bitcast %get3A_783 : vector<16xf32> -> vector<16xi32>
    %shift_right_arithmetic3A_891 = arith.constant 1 : i32
    %shift_right_arithmetic3A_892 = vector.broadcast %shift_right_arithmetic3A_891 : i32 to vector<16xi32>
    %shift_right_arithmetic3A_893 = arith.shrsi %bitcast_convert_type3A_890, %shift_right_arithmetic3A_892 : vector<16xi32>
    %sub3A_894 = arith.constant 1597463007 : i32
    %sub3A_895 = vector.broadcast %sub3A_894 : i32 to vector<16xi32>
    %sub3A_896 = arith.subi %sub3A_895, %shift_right_arithmetic3A_893 : vector<16xi32>
    %bitcast_convert_type3A_897 = tpu.bitcast %sub3A_896 : vector<16xi32> -> vector<16xf32>
    %mul3A_898 = arith.constant 5.000000e-01 : f32
    %mul3A_899 = vector.broadcast %mul3A_898 : f32 to vector<16xf32>
    %mul3A_900 = arith.mulf %mul3A_899, %get3A_783 : vector<16xf32>
    %mul3A_901 = arith.mulf %mul3A_900, %bitcast_convert_type3A_897 : vector<16xf32>
    %mul3A_902 = arith.mulf %mul3A_901, %bitcast_convert_type3A_897 : vector<16xf32>
    %sub3A_903 = arith.constant 1.500000e+00 : f32
    %sub3A_904 = vector.broadcast %sub3A_903 : f32 to vector<16xf32>
    %sub3A_905 = arith.subf %sub3A_904, %mul3A_902 : vector<16xf32>
    %mul3A_906 = arith.mulf %bitcast_convert_type3A_897, %sub3A_905 : vector<16xf32>
    %mul3A_907 = arith.constant 5.000000e-01 : f32
    %mul3A_908 = vector.broadcast %mul3A_907 : f32 to vector<16xf32>
    %mul3A_909 = arith.mulf %mul3A_908, %get3A_783 : vector<16xf32>
    %mul3A_910 = arith.mulf %mul3A_909, %mul3A_906 : vector<16xf32>
    %mul3A_911 = arith.mulf %mul3A_910, %mul3A_906 : vector<16xf32>
    %sub3A_912 = arith.constant 1.500000e+00 : f32
    %sub3A_913 = vector.broadcast %sub3A_912 : f32 to vector<16xf32>
    %sub3A_914 = arith.subf %sub3A_913, %mul3A_911 : vector<16xf32>
    %mul3A_915 = arith.mulf %mul3A_906, %sub3A_914 : vector<16xf32>
    %mul3A_916 = arith.constant 5.000000e-01 : f32
    %mul3A_917 = vector.broadcast %mul3A_916 : f32 to vector<16xf32>
    %mul3A_918 = arith.mulf %mul3A_917, %get3A_783 : vector<16xf32>
    %mul3A_919 = arith.mulf %mul3A_918, %mul3A_915 : vector<16xf32>
    %mul3A_920 = arith.mulf %mul3A_919, %mul3A_915 : vector<16xf32>
    %sub3A_921 = arith.constant 1.500000e+00 : f32
    %sub3A_922 = vector.broadcast %sub3A_921 : f32 to vector<16xf32>
    %sub3A_923 = arith.subf %sub3A_922, %mul3A_920 : vector<16xf32>
    %mul3A_924 = arith.mulf %mul3A_915, %sub3A_923 : vector<16xf32>
    %mul3A_925 = arith.mulf %get3A_783, %mul3A_924 : vector<16xf32>
    %bitcast_convert_type3A_926 = tpu.bitcast %sub3A_802 : vector<16xf32> -> vector<16xi32>
    %shift_right_arithmetic3A_927 = arith.constant 1 : i32
    %shift_right_arithmetic3A_928 = vector.broadcast %shift_right_arithmetic3A_927 : i32 to vector<16xi32>
    %shift_right_arithmetic3A_929 = arith.shrsi %bitcast_convert_type3A_926, %shift_right_arithmetic3A_928 : vector<16xi32>
    %sub3A_930 = arith.constant 1597463007 : i32
    %sub3A_931 = vector.broadcast %sub3A_930 : i32 to vector<16xi32>
    %sub3A_932 = arith.subi %sub3A_931, %shift_right_arithmetic3A_929 : vector<16xi32>
    %bitcast_convert_type3A_933 = tpu.bitcast %sub3A_932 : vector<16xi32> -> vector<16xf32>
    %mul3A_934 = arith.constant 5.000000e-01 : f32
    %mul3A_935 = vector.broadcast %mul3A_934 : f32 to vector<16xf32>
    %mul3A_936 = arith.mulf %mul3A_935, %sub3A_802 : vector<16xf32>
    %mul3A_937 = arith.mulf %mul3A_936, %bitcast_convert_type3A_933 : vector<16xf32>
    %mul3A_938 = arith.mulf %mul3A_937, %bitcast_convert_type3A_933 : vector<16xf32>
    %sub3A_939 = arith.constant 1.500000e+00 : f32
    %sub3A_940 = vector.broadcast %sub3A_939 : f32 to vector<16xf32>
    %sub3A_941 = arith.subf %sub3A_940, %mul3A_938 : vector<16xf32>
    %mul3A_942 = arith.mulf %bitcast_convert_type3A_933, %sub3A_941 : vector<16xf32>
    %mul3A_943 = arith.constant 5.000000e-01 : f32
    %mul3A_944 = vector.broadcast %mul3A_943 : f32 to vector<16xf32>
    %mul3A_945 = arith.mulf %mul3A_944, %sub3A_802 : vector<16xf32>
    %mul3A_946 = arith.mulf %mul3A_945, %mul3A_942 : vector<16xf32>
    %mul3A_947 = arith.mulf %mul3A_946, %mul3A_942 : vector<16xf32>
    %sub3A_948 = arith.constant 1.500000e+00 : f32
    %sub3A_949 = vector.broadcast %sub3A_948 : f32 to vector<16xf32>
    %sub3A_950 = arith.subf %sub3A_949, %mul3A_947 : vector<16xf32>
    %mul3A_951 = arith.mulf %mul3A_942, %sub3A_950 : vector<16xf32>
    %mul3A_952 = arith.constant 5.000000e-01 : f32
    %mul3A_953 = vector.broadcast %mul3A_952 : f32 to vector<16xf32>
    %mul3A_954 = arith.mulf %mul3A_953, %sub3A_802 : vector<16xf32>
    %mul3A_955 = arith.mulf %mul3A_954, %mul3A_951 : vector<16xf32>
    %mul3A_956 = arith.mulf %mul3A_955, %mul3A_951 : vector<16xf32>
    %sub3A_957 = arith.constant 1.500000e+00 : f32
    %sub3A_958 = vector.broadcast %sub3A_957 : f32 to vector<16xf32>
    %sub3A_959 = arith.subf %sub3A_958, %mul3A_956 : vector<16xf32>
    %mul3A_960 = arith.mulf %mul3A_951, %sub3A_959 : vector<16xf32>
    %mul3A_961 = arith.mulf %sub3A_802, %mul3A_960 : vector<16xf32>
    %mul3A_962 = arith.mulf %sub3A_802, %sub3A_802 : vector<16xf32>
    %bitcast_convert_type3A_963 = tpu.bitcast %div3A_817 : vector<16xf32> -> vector<16xi32>
    %shift_right_arithmetic3A_964 = arith.constant 1 : i32
    %shift_right_arithmetic3A_965 = vector.broadcast %shift_right_arithmetic3A_964 : i32 to vector<16xi32>
    %shift_right_arithmetic3A_966 = arith.shrsi %bitcast_convert_type3A_963, %shift_right_arithmetic3A_965 : vector<16xi32>
    %sub3A_967 = arith.constant 1597463007 : i32
    %sub3A_968 = vector.broadcast %sub3A_967 : i32 to vector<16xi32>
    %sub3A_969 = arith.subi %sub3A_968, %shift_right_arithmetic3A_966 : vector<16xi32>
    %bitcast_convert_type3A_970 = tpu.bitcast %sub3A_969 : vector<16xi32> -> vector<16xf32>
    %mul3A_971 = arith.constant 5.000000e-01 : f32
    %mul3A_972 = vector.broadcast %mul3A_971 : f32 to vector<16xf32>
    %mul3A_973 = arith.mulf %mul3A_972, %div3A_817 : vector<16xf32>
    %mul3A_974 = arith.mulf %mul3A_973, %bitcast_convert_type3A_970 : vector<16xf32>
    %mul3A_975 = arith.mulf %mul3A_974, %bitcast_convert_type3A_970 : vector<16xf32>
    %sub3A_976 = arith.constant 1.500000e+00 : f32
    %sub3A_977 = vector.broadcast %sub3A_976 : f32 to vector<16xf32>
    %sub3A_978 = arith.subf %sub3A_977, %mul3A_975 : vector<16xf32>
    %mul3A_979 = arith.mulf %bitcast_convert_type3A_970, %sub3A_978 : vector<16xf32>
    %mul3A_980 = arith.constant 5.000000e-01 : f32
    %mul3A_981 = vector.broadcast %mul3A_980 : f32 to vector<16xf32>
    %mul3A_982 = arith.mulf %mul3A_981, %div3A_817 : vector<16xf32>
    %mul3A_983 = arith.mulf %mul3A_982, %mul3A_979 : vector<16xf32>
    %mul3A_984 = arith.mulf %mul3A_983, %mul3A_979 : vector<16xf32>
    %sub3A_985 = arith.constant 1.500000e+00 : f32
    %sub3A_986 = vector.broadcast %sub3A_985 : f32 to vector<16xf32>
    %sub3A_987 = arith.subf %sub3A_986, %mul3A_984 : vector<16xf32>
    %mul3A_988 = arith.mulf %mul3A_979, %sub3A_987 : vector<16xf32>
    %mul3A_989 = arith.constant 5.000000e-01 : f32
    %mul3A_990 = vector.broadcast %mul3A_989 : f32 to vector<16xf32>
    %mul3A_991 = arith.mulf %mul3A_990, %div3A_817 : vector<16xf32>
    %mul3A_992 = arith.mulf %mul3A_991, %mul3A_988 : vector<16xf32>
    %mul3A_993 = arith.mulf %mul3A_992, %mul3A_988 : vector<16xf32>
    %sub3A_994 = arith.constant 1.500000e+00 : f32
    %sub3A_995 = vector.broadcast %sub3A_994 : f32 to vector<16xf32>
    %sub3A_996 = arith.subf %sub3A_995, %mul3A_993 : vector<16xf32>
    %mul3A_997 = arith.mulf %mul3A_988, %sub3A_996 : vector<16xf32>
    %mul3A_998 = arith.mulf %div3A_817, %mul3A_997 : vector<16xf32>
    %div3A_999 = arith.constant 1.000000e+00 : f32
    %div3A_1000 = vector.broadcast %div3A_999 : f32 to vector<16xf32>
    %div3A_1001 = arith.divf %div3A_1000, %mul3A_853 : vector<16xf32>
    %div3A_1002 = arith.constant 1.000000e+00 : f32
    %div3A_1003 = vector.broadcast %div3A_1002 : f32 to vector<16xf32>
    %div3A_1004 = arith.divf %div3A_1003, %mul3A_889 : vector<16xf32>
    %mul3A_1005 = arith.mulf %sub3A_802, %sub3A_802 : vector<16xf32>
    %mul3A_1006 = arith.constant 2.000000e+00 : f32
    %mul3A_1007 = vector.broadcast %mul3A_1006 : f32 to vector<16xf32>
    %mul3A_1008 = arith.mulf %mul3A_1007, %div3A_817 : vector<16xf32>
    %mul3A_1009 = arith.mulf %mul3A_1008, %select_n3A_799 : vector<16xf32>
    %mul3A_1010 = arith.mulf %mul3A_1009, %sub3A_805 : vector<16xf32>
    %div3A_1011 = arith.divf %mul3A_1005, %mul3A_1010 : vector<16xf32>
    %swap3A_1012 = arith.constant 48 : index
    %swap3A_1013 = tpu.vector_load %arg7[%swap3A_1012] {strides = array<i32>} : memref<896xf32, #tpu.memory_space<vmem>>, vector<16xf32>,
    tpu.vector_store %arg7[%swap3A_1012], %get3A_783 {strides = array<i32>} : memref<896xf32, #tpu.memory_space<vmem>>, vector<16xf32>,
    %swap3A_1014 = arith.constant 112 : index
    %swap3A_1015 = tpu.vector_load %arg7[%swap3A_1014] {strides = array<i32>} : memref<896xf32, #tpu.memory_space<vmem>>, vector<16xf32>,
    tpu.vector_store %arg7[%swap3A_1014], %sub3A_805 {strides = array<i32>} : memref<896xf32, #tpu.memory_space<vmem>>, vector<16xf32>,
    %swap3A_1016 = arith.constant 176 : index
    %swap3A_1017 = tpu.vector_load %arg7[%swap3A_1016] {strides = array<i32>} : memref<896xf32, #tpu.memory_space<vmem>>, vector<16xf32>,
    tpu.vector_store %arg7[%swap3A_1016], %mul3A_925 {strides = array<i32>} : memref<896xf32, #tpu.memory_space<vmem>>, vector<16xf32>,
    %swap3A_1018 = arith.constant 240 : index
    %swap3A_1019 = tpu.vector_load %arg7[%swap3A_1018] {strides = array<i32>} : memref<896xf32, #tpu.memory_space<vmem>>, vector<16xf32>,
    tpu.vector_store %arg7[%swap3A_1018], %mul3A_889 {strides = array<i32>} : memref<896xf32, #tpu.memory_space<vmem>>, vector<16xf32>,
    %swap3A_1020 = arith.constant 304 : index
    %swap3A_1021 = tpu.vector_load %arg7[%swap3A_1020] {strides = array<i32>} : memref<896xf32, #tpu.memory_space<vmem>>, vector<16xf32>,
    tpu.vector_store %arg7[%swap3A_1020], %select_n3A_799 {strides = array<i32>} : memref<896xf32, #tpu.memory_space<vmem>>, vector<16xf32>,
    %swap3A_1022 = arith.constant 368 : index
    %swap3A_1023 = tpu.vector_load %arg7[%swap3A_1022] {strides = array<i32>} : memref<896xf32, #tpu.memory_space<vmem>>, vector<16xf32>,
    tpu.vector_store %arg7[%swap3A_1022], %sub3A_802 {strides = array<i32>} : memref<896xf32, #tpu.memory_space<vmem>>, vector<16xf32>,
    %swap3A_1024 = arith.constant 432 : index
    %swap3A_1025 = tpu.vector_load %arg7[%swap3A_1024] {strides = array<i32>} : memref<896xf32, #tpu.memory_space<vmem>>, vector<16xf32>,
    tpu.vector_store %arg7[%swap3A_1024], %mul3A_853 {strides = array<i32>} : memref<896xf32, #tpu.memory_space<vmem>>, vector<16xf32>,
    %swap3A_1026 = arith.constant 496 : index
    %swap3A_1027 = tpu.vector_load %arg7[%swap3A_1026] {strides = array<i32>} : memref<896xf32, #tpu.memory_space<vmem>>, vector<16xf32>,
    tpu.vector_store %arg7[%swap3A_1026], %mul3A_961 {strides = array<i32>} : memref<896xf32, #tpu.memory_space<vmem>>, vector<16xf32>,
    %swap3A_1028 = arith.constant 560 : index
    %swap3A_1029 = tpu.vector_load %arg7[%swap3A_1028] {strides = array<i32>} : memref<896xf32, #tpu.memory_space<vmem>>, vector<16xf32>,
    tpu.vector_store %arg7[%swap3A_1028], %mul3A_962 {strides = array<i32>} : memref<896xf32, #tpu.memory_space<vmem>>, vector<16xf32>,
    %swap3A_1030 = arith.constant 624 : index
    %swap3A_1031 = tpu.vector_load %arg7[%swap3A_1030] {strides = array<i32>} : memref<896xf32, #tpu.memory_space<vmem>>, vector<16xf32>,
    tpu.vector_store %arg7[%swap3A_1030], %div3A_817 {strides = array<i32>} : memref<896xf32, #tpu.memory_space<vmem>>, vector<16xf32>,
    %swap3A_1032 = arith.constant 688 : index
    %swap3A_1033 = tpu.vector_load %arg7[%swap3A_1032] {strides = array<i32>} : memref<896xf32, #tpu.memory_space<vmem>>, vector<16xf32>,
    tpu.vector_store %arg7[%swap3A_1032], %mul3A_998 {strides = array<i32>} : memref<896xf32, #tpu.memory_space<vmem>>, vector<16xf32>,
    %swap3A_1034 = arith.constant 752 : index
    %swap3A_1035 = tpu.vector_load %arg7[%swap3A_1034] {strides = array<i32>} : memref<896xf32, #tpu.memory_space<vmem>>, vector<16xf32>,
    tpu.vector_store %arg7[%swap3A_1034], %div3A_1001 {strides = array<i32>} : memref<896xf32, #tpu.memory_space<vmem>>, vector<16xf32>,
    %swap3A_1036 = arith.constant 816 : index
    %swap3A_1037 = tpu.vector_load %arg7[%swap3A_1036] {strides = array<i32>} : memref<896xf32, #tpu.memory_space<vmem>>, vector<16xf32>,
    tpu.vector_store %arg7[%swap3A_1036], %div3A_1004 {strides = array<i32>} : memref<896xf32, #tpu.memory_space<vmem>>, vector<16xf32>,
    %swap3A_1038 = arith.constant 880 : index
    %swap3A_1039 = tpu.vector_load %arg7[%swap3A_1038] {strides = array<i32>} : memref<896xf32, #tpu.memory_space<vmem>>, vector<16xf32>,
    tpu.vector_store %arg7[%swap3A_1038], %div3A_1011 {strides = array<i32>} : memref<896xf32, #tpu.memory_space<vmem>>, vector<16xf32>,
    %parallel_loop3A = arith.constant 0 : i32
    %parallel_loop3A_1040 = arith.constant 512 : i32
    %parallel_loop3A_1041 = arith.constant 16 : i32
    scf.for %parallel_loop3A_1055 = %parallel_loop3A to %parallel_loop3A_1040 step %parallel_loop3A_1041  : i32 {
      %parallel_loop3A_1056 = arith.index_cast %parallel_loop3A_1055 : i32 to index
      %parallel_loop3A_1057 = tpu.vector_load %arg6[%parallel_loop3A_1056] {strides = array<i32>} : memref<512xi32, #tpu.memory_space<vmem>>, vector<16xi32>,
      %parallel_loop3A_1058 = arith.constant 0 : i32
      %parallel_loop3A_1059 = vector.broadcast %parallel_loop3A_1058 : i32 to vector<16xi32>
      %parallel_loop3A_1060 = arith.addi %parallel_loop3A_1057, %parallel_loop3A_1059 : vector<16xi32>
      %parallel_loop3A_1061 = tpu.vector_load_idx %arg7[%parallel_loop3A_1060] : memref<896xf32, #tpu.memory_space<vmem>>[vector<16xi32>], vector<16xf32>,
      %parallel_loop3A_1062 = arith.constant 0 : i32
      %parallel_loop3A_1063 = arith.addi %parallel_loop3A_1055, %parallel_loop3A_1062 : i32
      %parallel_loop3A_1064 = arith.index_cast %parallel_loop3A_1063 : i32 to index
      %parallel_loop3A_1065 = tpu.vector_load %arg8[%parallel_loop3A_1064] {strides = array<i32>} : memref<7168xf32, #tpu.memory_space<vmem>>, vector<16xf32>,
      tpu.vector_store %arg8[%parallel_loop3A_1064], %parallel_loop3A_1061 {strides = array<i32>} : memref<7168xf32, #tpu.memory_space<vmem>>, vector<16xf32>,
      %parallel_loop3A_1066 = arith.constant 64 : i32
      %parallel_loop3A_1067 = vector.broadcast %parallel_loop3A_1066 : i32 to vector<16xi32>
      %parallel_loop3A_1068 = arith.addi %parallel_loop3A_1057, %parallel_loop3A_1067 : vector<16xi32>
      %parallel_loop3A_1069 = tpu.vector_load_idx %arg7[%parallel_loop3A_1068] : memref<896xf32, #tpu.memory_space<vmem>>[vector<16xi32>], vector<16xf32>,
      %parallel_loop3A_1070 = arith.constant 512 : i32
      %parallel_loop3A_1071 = arith.addi %parallel_loop3A_1055, %parallel_loop3A_1070 : i32
      %parallel_loop3A_1072 = arith.index_cast %parallel_loop3A_1071 : i32 to index
      %parallel_loop3A_1073 = tpu.vector_load %arg8[%parallel_loop3A_1072] {strides = array<i32>} : memref<7168xf32, #tpu.memory_space<vmem>>, vector<16xf32>,
      tpu.vector_store %arg8[%parallel_loop3A_1072], %parallel_loop3A_1069 {strides = array<i32>} : memref<7168xf32, #tpu.memory_space<vmem>>, vector<16xf32>,
      %parallel_loop3A_1074 = arith.constant 128 : i32
      %parallel_loop3A_1075 = vector.broadcast %parallel_loop3A_1074 : i32 to vector<16xi32>
      %parallel_loop3A_1076 = arith.addi %parallel_loop3A_1057, %parallel_loop3A_1075 : vector<16xi32>
      %parallel_loop3A_1077 = tpu.vector_load_idx %arg7[%parallel_loop3A_1076] : memref<896xf32, #tpu.memory_space<vmem>>[vector<16xi32>], vector<16xf32>,
      %parallel_loop3A_1078 = arith.constant 1024 : i32
      %parallel_loop3A_1079 = arith.addi %parallel_loop3A_1055, %parallel_loop3A_1078 : i32
      %parallel_loop3A_1080 = arith.index_cast %parallel_loop3A_1079 : i32 to index
      %parallel_loop3A_1081 = tpu.vector_load %arg8[%parallel_loop3A_1080] {strides = array<i32>} : memref<7168xf32, #tpu.memory_space<vmem>>, vector<16xf32>,
      tpu.vector_store %arg8[%parallel_loop3A_1080], %parallel_loop3A_1077 {strides = array<i32>} : memref<7168xf32, #tpu.memory_space<vmem>>, vector<16xf32>,
      %parallel_loop3A_1082 = arith.constant 192 : i32
      %parallel_loop3A_1083 = vector.broadcast %parallel_loop3A_1082 : i32 to vector<16xi32>
      %parallel_loop3A_1084 = arith.addi %parallel_loop3A_1057, %parallel_loop3A_1083 : vector<16xi32>
      %parallel_loop3A_1085 = tpu.vector_load_idx %arg7[%parallel_loop3A_1084] : memref<896xf32, #tpu.memory_space<vmem>>[vector<16xi32>], vector<16xf32>,
      %parallel_loop3A_1086 = arith.constant 1536 : i32
      %parallel_loop3A_1087 = arith.addi %parallel_loop3A_1055, %parallel_loop3A_1086 : i32
      %parallel_loop3A_1088 = arith.index_cast %parallel_loop3A_1087 : i32 to index
      %parallel_loop3A_1089 = tpu.vector_load %arg8[%parallel_loop3A_1088] {strides = array<i32>} : memref<7168xf32, #tpu.memory_space<vmem>>, vector<16xf32>,
      tpu.vector_store %arg8[%parallel_loop3A_1088], %parallel_loop3A_1085 {strides = array<i32>} : memref<7168xf32, #tpu.memory_space<vmem>>, vector<16xf32>,
      %parallel_loop3A_1090 = arith.constant 256 : i32
      %parallel_loop3A_1091 = vector.broadcast %parallel_loop3A_1090 : i32 to vector<16xi32>
      %parallel_loop3A_1092 = arith.addi %parallel_loop3A_1057, %parallel_loop3A_1091 : vector<16xi32>
      %parallel_loop3A_1093 = tpu.vector_load_idx %arg7[%parallel_loop3A_1092] : memref<896xf32, #tpu.memory_space<vmem>>[vector<16xi32>], vector<16xf32>,
      %parallel_loop3A_1094 = arith.constant 2048 : i32
      %parallel_loop3A_1095 = arith.addi %parallel_loop3A_1055, %parallel_loop3A_1094 : i32
      %parallel_loop3A_1096 = arith.index_cast %parallel_loop3A_1095 : i32 to index
      %parallel_loop3A_1097 = tpu.vector_load %arg8[%parallel_loop3A_1096] {strides = array<i32>} : memref<7168xf32, #tpu.memory_space<vmem>>, vector<16xf32>,
      tpu.vector_store %arg8[%parallel_loop3A_1096], %parallel_loop3A_1093 {strides = array<i32>} : memref<7168xf32, #tpu.memory_space<vmem>>, vector<16xf32>,
      %parallel_loop3A_1098 = arith.constant 320 : i32
      %parallel_loop3A_1099 = vector.broadcast %parallel_loop3A_1098 : i32 to vector<16xi32>
      %parallel_loop3A_1100 = arith.addi %parallel_loop3A_1057, %parallel_loop3A_1099 : vector<16xi32>
      %parallel_loop3A_1101 = tpu.vector_load_idx %arg7[%parallel_loop3A_1100] : memref<896xf32, #tpu.memory_space<vmem>>[vector<16xi32>], vector<16xf32>,
      %parallel_loop3A_1102 = arith.constant 2560 : i32
      %parallel_loop3A_1103 = arith.addi %parallel_loop3A_1055, %parallel_loop3A_1102 : i32
      %parallel_loop3A_1104 = arith.index_cast %parallel_loop3A_1103 : i32 to index
      %parallel_loop3A_1105 = tpu.vector_load %arg8[%parallel_loop3A_1104] {strides = array<i32>} : memref<7168xf32, #tpu.memory_space<vmem>>, vector<16xf32>,
      tpu.vector_store %arg8[%parallel_loop3A_1104], %parallel_loop3A_1101 {strides = array<i32>} : memref<7168xf32, #tpu.memory_space<vmem>>, vector<16xf32>,
      %parallel_loop3A_1106 = arith.constant 384 : i32
      %parallel_loop3A_1107 = vector.broadcast %parallel_loop3A_1106 : i32 to vector<16xi32>
      %parallel_loop3A_1108 = arith.addi %parallel_loop3A_1057, %parallel_loop3A_1107 : vector<16xi32>
      %parallel_loop3A_1109 = tpu.vector_load_idx %arg7[%parallel_loop3A_1108] : memref<896xf32, #tpu.memory_space<vmem>>[vector<16xi32>], vector<16xf32>,
      %parallel_loop3A_1110 = arith.constant 3072 : i32
      %parallel_loop3A_1111 = arith.addi %parallel_loop3A_1055, %parallel_loop3A_1110 : i32
      %parallel_loop3A_1112 = arith.index_cast %parallel_loop3A_1111 : i32 to index
      %parallel_loop3A_1113 = tpu.vector_load %arg8[%parallel_loop3A_1112] {strides = array<i32>} : memref<7168xf32, #tpu.memory_space<vmem>>, vector<16xf32>,
      tpu.vector_store %arg8[%parallel_loop3A_1112], %parallel_loop3A_1109 {strides = array<i32>} : memref<7168xf32, #tpu.memory_space<vmem>>, vector<16xf32>,
      %parallel_loop3A_1114 = arith.constant 448 : i32
      %parallel_loop3A_1115 = vector.broadcast %parallel_loop3A_1114 : i32 to vector<16xi32>
      %parallel_loop3A_1116 = arith.addi %parallel_loop3A_1057, %parallel_loop3A_1115 : vector<16xi32>
      %parallel_loop3A_1117 = tpu.vector_load_idx %arg7[%parallel_loop3A_1116] : memref<896xf32, #tpu.memory_space<vmem>>[vector<16xi32>], vector<16xf32>,
      %parallel_loop3A_1118 = arith.constant 3584 : i32
      %parallel_loop3A_1119 = arith.addi %parallel_loop3A_1055, %parallel_loop3A_1118 : i32
      %parallel_loop3A_1120 = arith.index_cast %parallel_loop3A_1119 : i32 to index
      %parallel_loop3A_1121 = tpu.vector_load %arg8[%parallel_loop3A_1120] {strides = array<i32>} : memref<7168xf32, #tpu.memory_space<vmem>>, vector<16xf32>,
      tpu.vector_store %arg8[%parallel_loop3A_1120], %parallel_loop3A_1117 {strides = array<i32>} : memref<7168xf32, #tpu.memory_space<vmem>>, vector<16xf32>,
      %parallel_loop3A_1122 = arith.constant 512 : i32
      %parallel_loop3A_1123 = vector.broadcast %parallel_loop3A_1122 : i32 to vector<16xi32>
      %parallel_loop3A_1124 = arith.addi %parallel_loop3A_1057, %parallel_loop3A_1123 : vector<16xi32>
      %parallel_loop3A_1125 = tpu.vector_load_idx %arg7[%parallel_loop3A_1124] : memref<896xf32, #tpu.memory_space<vmem>>[vector<16xi32>], vector<16xf32>,
      %parallel_loop3A_1126 = arith.constant 4096 : i32
      %parallel_loop3A_1127 = arith.addi %parallel_loop3A_1055, %parallel_loop3A_1126 : i32
      %parallel_loop3A_1128 = arith.index_cast %parallel_loop3A_1127 : i32 to index
      %parallel_loop3A_1129 = tpu.vector_load %arg8[%parallel_loop3A_1128] {strides = array<i32>} : memref<7168xf32, #tpu.memory_space<vmem>>, vector<16xf32>,
      tpu.vector_store %arg8[%parallel_loop3A_1128], %parallel_loop3A_1125 {strides = array<i32>} : memref<7168xf32, #tpu.memory_space<vmem>>, vector<16xf32>,
      %parallel_loop3A_1130 = arith.constant 576 : i32
      %parallel_loop3A_1131 = vector.broadcast %parallel_loop3A_1130 : i32 to vector<16xi32>
      %parallel_loop3A_1132 = arith.addi %parallel_loop3A_1057, %parallel_loop3A_1131 : vector<16xi32>
      %parallel_loop3A_1133 = tpu.vector_load_idx %arg7[%parallel_loop3A_1132] : memref<896xf32, #tpu.memory_space<vmem>>[vector<16xi32>], vector<16xf32>,
      %parallel_loop3A_1134 = arith.constant 4608 : i32
      %parallel_loop3A_1135 = arith.addi %parallel_loop3A_1055, %parallel_loop3A_1134 : i32
      %parallel_loop3A_1136 = arith.index_cast %parallel_loop3A_1135 : i32 to index
      %parallel_loop3A_1137 = tpu.vector_load %arg8[%parallel_loop3A_1136] {strides = array<i32>} : memref<7168xf32, #tpu.memory_space<vmem>>, vector<16xf32>,
      tpu.vector_store %arg8[%parallel_loop3A_1136], %parallel_loop3A_1133 {strides = array<i32>} : memref<7168xf32, #tpu.memory_space<vmem>>, vector<16xf32>,
      %parallel_loop3A_1138 = arith.constant 640 : i32
      %parallel_loop3A_1139 = vector.broadcast %parallel_loop3A_1138 : i32 to vector<16xi32>
      %parallel_loop3A_1140 = arith.addi %parallel_loop3A_1057, %parallel_loop3A_1139 : vector<16xi32>
      %parallel_loop3A_1141 = tpu.vector_load_idx %arg7[%parallel_loop3A_1140] : memref<896xf32, #tpu.memory_space<vmem>>[vector<16xi32>], vector<16xf32>,
      %parallel_loop3A_1142 = arith.constant 5120 : i32
      %parallel_loop3A_1143 = arith.addi %parallel_loop3A_1055, %parallel_loop3A_1142 : i32
      %parallel_loop3A_1144 = arith.index_cast %parallel_loop3A_1143 : i32 to index
      %parallel_loop3A_1145 = tpu.vector_load %arg8[%parallel_loop3A_1144] {strides = array<i32>} : memref<7168xf32, #tpu.memory_space<vmem>>, vector<16xf32>,
      tpu.vector_store %arg8[%parallel_loop3A_1144], %parallel_loop3A_1141 {strides = array<i32>} : memref<7168xf32, #tpu.memory_space<vmem>>, vector<16xf32>,
      %parallel_loop3A_1146 = arith.constant 704 : i32
      %parallel_loop3A_1147 = vector.broadcast %parallel_loop3A_1146 : i32 to vector<16xi32>
      %parallel_loop3A_1148 = arith.addi %parallel_loop3A_1057, %parallel_loop3A_1147 : vector<16xi32>
      %parallel_loop3A_1149 = tpu.vector_load_idx %arg7[%parallel_loop3A_1148] : memref<896xf32, #tpu.memory_space<vmem>>[vector<16xi32>], vector<16xf32>,
      %parallel_loop3A_1150 = arith.constant 5632 : i32
      %parallel_loop3A_1151 = arith.addi %parallel_loop3A_1055, %parallel_loop3A_1150 : i32
      %parallel_loop3A_1152 = arith.index_cast %parallel_loop3A_1151 : i32 to index
      %parallel_loop3A_1153 = tpu.vector_load %arg8[%parallel_loop3A_1152] {strides = array<i32>} : memref<7168xf32, #tpu.memory_space<vmem>>, vector<16xf32>,
      tpu.vector_store %arg8[%parallel_loop3A_1152], %parallel_loop3A_1149 {strides = array<i32>} : memref<7168xf32, #tpu.memory_space<vmem>>, vector<16xf32>,
      %parallel_loop3A_1154 = arith.constant 768 : i32
      %parallel_loop3A_1155 = vector.broadcast %parallel_loop3A_1154 : i32 to vector<16xi32>
      %parallel_loop3A_1156 = arith.addi %parallel_loop3A_1057, %parallel_loop3A_1155 : vector<16xi32>
      %parallel_loop3A_1157 = tpu.vector_load_idx %arg7[%parallel_loop3A_1156] : memref<896xf32, #tpu.memory_space<vmem>>[vector<16xi32>], vector<16xf32>,
      %parallel_loop3A_1158 = arith.constant 6144 : i32
      %parallel_loop3A_1159 = arith.addi %parallel_loop3A_1055, %parallel_loop3A_1158 : i32
      %parallel_loop3A_1160 = arith.index_cast %parallel_loop3A_1159 : i32 to index
      %parallel_loop3A_1161 = tpu.vector_load %arg8[%parallel_loop3A_1160] {strides = array<i32>} : memref<7168xf32, #tpu.memory_space<vmem>>, vector<16xf32>,
      tpu.vector_store %arg8[%parallel_loop3A_1160], %parallel_loop3A_1157 {strides = array<i32>} : memref<7168xf32, #tpu.memory_space<vmem>>, vector<16xf32>,
      %parallel_loop3A_1162 = arith.constant 832 : i32
      %parallel_loop3A_1163 = vector.broadcast %parallel_loop3A_1162 : i32 to vector<16xi32>
      %parallel_loop3A_1164 = arith.addi %parallel_loop3A_1057, %parallel_loop3A_1163 : vector<16xi32>
      %parallel_loop3A_1165 = tpu.vector_load_idx %arg7[%parallel_loop3A_1164] : memref<896xf32, #tpu.memory_space<vmem>>[vector<16xi32>], vector<16xf32>,
      %parallel_loop3A_1166 = arith.constant 6656 : i32
      %parallel_loop3A_1167 = arith.addi %parallel_loop3A_1055, %parallel_loop3A_1166 : i32
      %parallel_loop3A_1168 = arith.index_cast %parallel_loop3A_1167 : i32 to index
      %parallel_loop3A_1169 = tpu.vector_load %arg8[%parallel_loop3A_1168] {strides = array<i32>} : memref<7168xf32, #tpu.memory_space<vmem>>, vector<16xf32>,
      tpu.vector_store %arg8[%parallel_loop3A_1168], %parallel_loop3A_1165 {strides = array<i32>} : memref<7168xf32, #tpu.memory_space<vmem>>, vector<16xf32>,
    } {sc.loop_unroll_factor = 2 : i64, sc.parallel_access}
    %run_scoped3A = arith.constant 0 : i32
    "tpu.region"() ({
      %run_scoped3A_1055 = tpu.sem_alloc : memref<!tpu.dma_semaphore, #tpu.memory_space<semaphore_mem>>
      %dma_start3A = arith.constant 0 : i32
      %dma_start3A_1056 = tpu.memref_slice %arg8[%dma_start3A] : memref<7168xf32, #tpu.memory_space<vmem>> -> memref<512xf32, #tpu.memory_space<vmem>>
      %dma_start3A_1057 = tpu.memref_slice %arg4[%run_scoped3A, %mul3A_2] : memref<14x16384xf32, #tpu.memory_space<hbm>> -> memref<1x512xf32, #tpu.memory_space<hbm>>
      %dma_start3A_1058 = tpu.memref_squeeze %dma_start3A_1057 : memref<1x512xf32, #tpu.memory_space<hbm>> -> memref<512xf32, #tpu.memory_space<hbm>>
      %dma_start3A_1059 = tpu.memref_slice %arg4[%run_scoped3A, %mul3A_2] : memref<14x16384xf32, #tpu.memory_space<hbm>> -> memref<1x512xf32, #tpu.memory_space<hbm>>
      %dma_start3A_1060 = tpu.memref_squeeze %dma_start3A_1059 : memref<1x512xf32, #tpu.memory_space<hbm>> -> memref<512xf32, #tpu.memory_space<hbm>>
      %dma_start3A_1061 = arith.constant 0 : i32
      %dma_start3A_1062 = tpu.memref_slice %arg8[%dma_start3A_1061] : memref<7168xf32, #tpu.memory_space<vmem>> -> memref<512xf32, #tpu.memory_space<vmem>>
      tpu.enqueue_dma source(%dma_start3A_1062 : memref<512xf32, #tpu.memory_space<vmem>>) target(%dma_start3A_1060 : memref<512xf32, #tpu.memory_space<hbm>>) target_semaphore(%run_scoped3A_1055 : memref<!tpu.dma_semaphore, #tpu.memory_space<semaphore_mem>>)
      %dma_wait3A = arith.constant 0 : i32
      %dma_wait3A_1063 = tpu.memref_slice %arg8[%dma_wait3A] : memref<7168xf32, #tpu.memory_space<vmem>> -> memref<512xf32, #tpu.memory_space<vmem>>
      %dma_wait3A_1064 = tpu.memref_slice %arg4[%run_scoped3A, %mul3A_2] : memref<14x16384xf32, #tpu.memory_space<hbm>> -> memref<1x512xf32, #tpu.memory_space<hbm>>
      %dma_wait3A_1065 = tpu.memref_squeeze %dma_wait3A_1064 : memref<1x512xf32, #tpu.memory_space<hbm>> -> memref<512xf32, #tpu.memory_space<hbm>>
      %dma_wait3A_1066 = tpu.memref_slice %arg4[%run_scoped3A, %mul3A_2] : memref<14x16384xf32, #tpu.memory_space<hbm>> -> memref<1x512xf32, #tpu.memory_space<hbm>>
      %dma_wait3A_1067 = tpu.memref_squeeze %dma_wait3A_1066 : memref<1x512xf32, #tpu.memory_space<hbm>> -> memref<512xf32, #tpu.memory_space<hbm>>
      %dma_wait3A_1068 = arith.constant 0 : i32
      %dma_wait3A_1069 = tpu.memref_slice %arg8[%dma_wait3A_1068] : memref<7168xf32, #tpu.memory_space<vmem>> -> memref<512xf32, #tpu.memory_space<vmem>>
      tpu.wait_dma2 semaphore(%run_scoped3A_1055 : memref<!tpu.dma_semaphore, #tpu.memory_space<semaphore_mem>>) src(%dma_wait3A_1069 : memref<512xf32, #tpu.memory_space<vmem>>) dst(%dma_wait3A_1067 : memref<512xf32, #tpu.memory_space<hbm>>)
      tpu.yield
    }) : () -> ()
    %run_scoped3A_1042 = arith.constant 1 : i32
    "tpu.region"() ({
      %run_scoped3A_1055 = tpu.sem_alloc : memref<!tpu.dma_semaphore, #tpu.memory_space<semaphore_mem>>
      %dma_start3A = arith.constant 512 : i32
      %dma_start3A_1056 = tpu.memref_slice %arg8[%dma_start3A] : memref<7168xf32, #tpu.memory_space<vmem>> -> memref<512xf32, #tpu.memory_space<vmem>>
      %dma_start3A_1057 = tpu.memref_slice %arg4[%run_scoped3A_1042, %mul3A_2] : memref<14x16384xf32, #tpu.memory_space<hbm>> -> memref<1x512xf32, #tpu.memory_space<hbm>>
      %dma_start3A_1058 = tpu.memref_squeeze %dma_start3A_1057 : memref<1x512xf32, #tpu.memory_space<hbm>> -> memref<512xf32, #tpu.memory_space<hbm>>
      %dma_start3A_1059 = tpu.memref_slice %arg4[%run_scoped3A_1042, %mul3A_2] : memref<14x16384xf32, #tpu.memory_space<hbm>> -> memref<1x512xf32, #tpu.memory_space<hbm>>
      %dma_start3A_1060 = tpu.memref_squeeze %dma_start3A_1059 : memref<1x512xf32, #tpu.memory_space<hbm>> -> memref<512xf32, #tpu.memory_space<hbm>>
      %dma_start3A_1061 = arith.constant 512 : i32
      %dma_start3A_1062 = tpu.memref_slice %arg8[%dma_start3A_1061] : memref<7168xf32, #tpu.memory_space<vmem>> -> memref<512xf32, #tpu.memory_space<vmem>>
      tpu.enqueue_dma source(%dma_start3A_1062 : memref<512xf32, #tpu.memory_space<vmem>>) target(%dma_start3A_1060 : memref<512xf32, #tpu.memory_space<hbm>>) target_semaphore(%run_scoped3A_1055 : memref<!tpu.dma_semaphore, #tpu.memory_space<semaphore_mem>>)
      %dma_wait3A = arith.constant 512 : i32
      %dma_wait3A_1063 = tpu.memref_slice %arg8[%dma_wait3A] : memref<7168xf32, #tpu.memory_space<vmem>> -> memref<512xf32, #tpu.memory_space<vmem>>
      %dma_wait3A_1064 = tpu.memref_slice %arg4[%run_scoped3A_1042, %mul3A_2] : memref<14x16384xf32, #tpu.memory_space<hbm>> -> memref<1x512xf32, #tpu.memory_space<hbm>>
      %dma_wait3A_1065 = tpu.memref_squeeze %dma_wait3A_1064 : memref<1x512xf32, #tpu.memory_space<hbm>> -> memref<512xf32, #tpu.memory_space<hbm>>
      %dma_wait3A_1066 = tpu.memref_slice %arg4[%run_scoped3A_1042, %mul3A_2] : memref<14x16384xf32, #tpu.memory_space<hbm>> -> memref<1x512xf32, #tpu.memory_space<hbm>>
      %dma_wait3A_1067 = tpu.memref_squeeze %dma_wait3A_1066 : memref<1x512xf32, #tpu.memory_space<hbm>> -> memref<512xf32, #tpu.memory_space<hbm>>
      %dma_wait3A_1068 = arith.constant 512 : i32
      %dma_wait3A_1069 = tpu.memref_slice %arg8[%dma_wait3A_1068] : memref<7168xf32, #tpu.memory_space<vmem>> -> memref<512xf32, #tpu.memory_space<vmem>>
      tpu.wait_dma2 semaphore(%run_scoped3A_1055 : memref<!tpu.dma_semaphore, #tpu.memory_space<semaphore_mem>>) src(%dma_wait3A_1069 : memref<512xf32, #tpu.memory_space<vmem>>) dst(%dma_wait3A_1067 : memref<512xf32, #tpu.memory_space<hbm>>)
      tpu.yield
    }) : () -> ()
    %run_scoped3A_1043 = arith.constant 2 : i32
    "tpu.region"() ({
      %run_scoped3A_1055 = tpu.sem_alloc : memref<!tpu.dma_semaphore, #tpu.memory_space<semaphore_mem>>
      %dma_start3A = arith.constant 1024 : i32
      %dma_start3A_1056 = tpu.memref_slice %arg8[%dma_start3A] : memref<7168xf32, #tpu.memory_space<vmem>> -> memref<512xf32, #tpu.memory_space<vmem>>
      %dma_start3A_1057 = tpu.memref_slice %arg4[%run_scoped3A_1043, %mul3A_2] : memref<14x16384xf32, #tpu.memory_space<hbm>> -> memref<1x512xf32, #tpu.memory_space<hbm>>
      %dma_start3A_1058 = tpu.memref_squeeze %dma_start3A_1057 : memref<1x512xf32, #tpu.memory_space<hbm>> -> memref<512xf32, #tpu.memory_space<hbm>>
      %dma_start3A_1059 = tpu.memref_slice %arg4[%run_scoped3A_1043, %mul3A_2] : memref<14x16384xf32, #tpu.memory_space<hbm>> -> memref<1x512xf32, #tpu.memory_space<hbm>>
      %dma_start3A_1060 = tpu.memref_squeeze %dma_start3A_1059 : memref<1x512xf32, #tpu.memory_space<hbm>> -> memref<512xf32, #tpu.memory_space<hbm>>
      %dma_start3A_1061 = arith.constant 1024 : i32
      %dma_start3A_1062 = tpu.memref_slice %arg8[%dma_start3A_1061] : memref<7168xf32, #tpu.memory_space<vmem>> -> memref<512xf32, #tpu.memory_space<vmem>>
      tpu.enqueue_dma source(%dma_start3A_1062 : memref<512xf32, #tpu.memory_space<vmem>>) target(%dma_start3A_1060 : memref<512xf32, #tpu.memory_space<hbm>>) target_semaphore(%run_scoped3A_1055 : memref<!tpu.dma_semaphore, #tpu.memory_space<semaphore_mem>>)
      %dma_wait3A = arith.constant 1024 : i32
      %dma_wait3A_1063 = tpu.memref_slice %arg8[%dma_wait3A] : memref<7168xf32, #tpu.memory_space<vmem>> -> memref<512xf32, #tpu.memory_space<vmem>>
      %dma_wait3A_1064 = tpu.memref_slice %arg4[%run_scoped3A_1043, %mul3A_2] : memref<14x16384xf32, #tpu.memory_space<hbm>> -> memref<1x512xf32, #tpu.memory_space<hbm>>
      %dma_wait3A_1065 = tpu.memref_squeeze %dma_wait3A_1064 : memref<1x512xf32, #tpu.memory_space<hbm>> -> memref<512xf32, #tpu.memory_space<hbm>>
      %dma_wait3A_1066 = tpu.memref_slice %arg4[%run_scoped3A_1043, %mul3A_2] : memref<14x16384xf32, #tpu.memory_space<hbm>> -> memref<1x512xf32, #tpu.memory_space<hbm>>
      %dma_wait3A_1067 = tpu.memref_squeeze %dma_wait3A_1066 : memref<1x512xf32, #tpu.memory_space<hbm>> -> memref<512xf32, #tpu.memory_space<hbm>>
      %dma_wait3A_1068 = arith.constant 1024 : i32
      %dma_wait3A_1069 = tpu.memref_slice %arg8[%dma_wait3A_1068] : memref<7168xf32, #tpu.memory_space<vmem>> -> memref<512xf32, #tpu.memory_space<vmem>>
      tpu.wait_dma2 semaphore(%run_scoped3A_1055 : memref<!tpu.dma_semaphore, #tpu.memory_space<semaphore_mem>>) src(%dma_wait3A_1069 : memref<512xf32, #tpu.memory_space<vmem>>) dst(%dma_wait3A_1067 : memref<512xf32, #tpu.memory_space<hbm>>)
      tpu.yield
    }) : () -> ()
    %run_scoped3A_1044 = arith.constant 3 : i32
    "tpu.region"() ({
      %run_scoped3A_1055 = tpu.sem_alloc : memref<!tpu.dma_semaphore, #tpu.memory_space<semaphore_mem>>
      %dma_start3A = arith.constant 1536 : i32
      %dma_start3A_1056 = tpu.memref_slice %arg8[%dma_start3A] : memref<7168xf32, #tpu.memory_space<vmem>> -> memref<512xf32, #tpu.memory_space<vmem>>
      %dma_start3A_1057 = tpu.memref_slice %arg4[%run_scoped3A_1044, %mul3A_2] : memref<14x16384xf32, #tpu.memory_space<hbm>> -> memref<1x512xf32, #tpu.memory_space<hbm>>
      %dma_start3A_1058 = tpu.memref_squeeze %dma_start3A_1057 : memref<1x512xf32, #tpu.memory_space<hbm>> -> memref<512xf32, #tpu.memory_space<hbm>>
      %dma_start3A_1059 = tpu.memref_slice %arg4[%run_scoped3A_1044, %mul3A_2] : memref<14x16384xf32, #tpu.memory_space<hbm>> -> memref<1x512xf32, #tpu.memory_space<hbm>>
      %dma_start3A_1060 = tpu.memref_squeeze %dma_start3A_1059 : memref<1x512xf32, #tpu.memory_space<hbm>> -> memref<512xf32, #tpu.memory_space<hbm>>
      %dma_start3A_1061 = arith.constant 1536 : i32
      %dma_start3A_1062 = tpu.memref_slice %arg8[%dma_start3A_1061] : memref<7168xf32, #tpu.memory_space<vmem>> -> memref<512xf32, #tpu.memory_space<vmem>>
      tpu.enqueue_dma source(%dma_start3A_1062 : memref<512xf32, #tpu.memory_space<vmem>>) target(%dma_start3A_1060 : memref<512xf32, #tpu.memory_space<hbm>>) target_semaphore(%run_scoped3A_1055 : memref<!tpu.dma_semaphore, #tpu.memory_space<semaphore_mem>>)
      %dma_wait3A = arith.constant 1536 : i32
      %dma_wait3A_1063 = tpu.memref_slice %arg8[%dma_wait3A] : memref<7168xf32, #tpu.memory_space<vmem>> -> memref<512xf32, #tpu.memory_space<vmem>>
      %dma_wait3A_1064 = tpu.memref_slice %arg4[%run_scoped3A_1044, %mul3A_2] : memref<14x16384xf32, #tpu.memory_space<hbm>> -> memref<1x512xf32, #tpu.memory_space<hbm>>
      %dma_wait3A_1065 = tpu.memref_squeeze %dma_wait3A_1064 : memref<1x512xf32, #tpu.memory_space<hbm>> -> memref<512xf32, #tpu.memory_space<hbm>>
      %dma_wait3A_1066 = tpu.memref_slice %arg4[%run_scoped3A_1044, %mul3A_2] : memref<14x16384xf32, #tpu.memory_space<hbm>> -> memref<1x512xf32, #tpu.memory_space<hbm>>
      %dma_wait3A_1067 = tpu.memref_squeeze %dma_wait3A_1066 : memref<1x512xf32, #tpu.memory_space<hbm>> -> memref<512xf32, #tpu.memory_space<hbm>>
      %dma_wait3A_1068 = arith.constant 1536 : i32
      %dma_wait3A_1069 = tpu.memref_slice %arg8[%dma_wait3A_1068] : memref<7168xf32, #tpu.memory_space<vmem>> -> memref<512xf32, #tpu.memory_space<vmem>>
      tpu.wait_dma2 semaphore(%run_scoped3A_1055 : memref<!tpu.dma_semaphore, #tpu.memory_space<semaphore_mem>>) src(%dma_wait3A_1069 : memref<512xf32, #tpu.memory_space<vmem>>) dst(%dma_wait3A_1067 : memref<512xf32, #tpu.memory_space<hbm>>)
      tpu.yield
    }) : () -> ()
    %run_scoped3A_1045 = arith.constant 4 : i32
    "tpu.region"() ({
      %run_scoped3A_1055 = tpu.sem_alloc : memref<!tpu.dma_semaphore, #tpu.memory_space<semaphore_mem>>
      %dma_start3A = arith.constant 2048 : i32
      %dma_start3A_1056 = tpu.memref_slice %arg8[%dma_start3A] : memref<7168xf32, #tpu.memory_space<vmem>> -> memref<512xf32, #tpu.memory_space<vmem>>
      %dma_start3A_1057 = tpu.memref_slice %arg4[%run_scoped3A_1045, %mul3A_2] : memref<14x16384xf32, #tpu.memory_space<hbm>> -> memref<1x512xf32, #tpu.memory_space<hbm>>
      %dma_start3A_1058 = tpu.memref_squeeze %dma_start3A_1057 : memref<1x512xf32, #tpu.memory_space<hbm>> -> memref<512xf32, #tpu.memory_space<hbm>>
      %dma_start3A_1059 = tpu.memref_slice %arg4[%run_scoped3A_1045, %mul3A_2] : memref<14x16384xf32, #tpu.memory_space<hbm>> -> memref<1x512xf32, #tpu.memory_space<hbm>>
      %dma_start3A_1060 = tpu.memref_squeeze %dma_start3A_1059 : memref<1x512xf32, #tpu.memory_space<hbm>> -> memref<512xf32, #tpu.memory_space<hbm>>
      %dma_start3A_1061 = arith.constant 2048 : i32
      %dma_start3A_1062 = tpu.memref_slice %arg8[%dma_start3A_1061] : memref<7168xf32, #tpu.memory_space<vmem>> -> memref<512xf32, #tpu.memory_space<vmem>>
      tpu.enqueue_dma source(%dma_start3A_1062 : memref<512xf32, #tpu.memory_space<vmem>>) target(%dma_start3A_1060 : memref<512xf32, #tpu.memory_space<hbm>>) target_semaphore(%run_scoped3A_1055 : memref<!tpu.dma_semaphore, #tpu.memory_space<semaphore_mem>>)
      %dma_wait3A = arith.constant 2048 : i32
      %dma_wait3A_1063 = tpu.memref_slice %arg8[%dma_wait3A] : memref<7168xf32, #tpu.memory_space<vmem>> -> memref<512xf32, #tpu.memory_space<vmem>>
      %dma_wait3A_1064 = tpu.memref_slice %arg4[%run_scoped3A_1045, %mul3A_2] : memref<14x16384xf32, #tpu.memory_space<hbm>> -> memref<1x512xf32, #tpu.memory_space<hbm>>
      %dma_wait3A_1065 = tpu.memref_squeeze %dma_wait3A_1064 : memref<1x512xf32, #tpu.memory_space<hbm>> -> memref<512xf32, #tpu.memory_space<hbm>>
      %dma_wait3A_1066 = tpu.memref_slice %arg4[%run_scoped3A_1045, %mul3A_2] : memref<14x16384xf32, #tpu.memory_space<hbm>> -> memref<1x512xf32, #tpu.memory_space<hbm>>
      %dma_wait3A_1067 = tpu.memref_squeeze %dma_wait3A_1066 : memref<1x512xf32, #tpu.memory_space<hbm>> -> memref<512xf32, #tpu.memory_space<hbm>>
      %dma_wait3A_1068 = arith.constant 2048 : i32
      %dma_wait3A_1069 = tpu.memref_slice %arg8[%dma_wait3A_1068] : memref<7168xf32, #tpu.memory_space<vmem>> -> memref<512xf32, #tpu.memory_space<vmem>>
      tpu.wait_dma2 semaphore(%run_scoped3A_1055 : memref<!tpu.dma_semaphore, #tpu.memory_space<semaphore_mem>>) src(%dma_wait3A_1069 : memref<512xf32, #tpu.memory_space<vmem>>) dst(%dma_wait3A_1067 : memref<512xf32, #tpu.memory_space<hbm>>)
      tpu.yield
    }) : () -> ()
    %run_scoped3A_1046 = arith.constant 5 : i32
    "tpu.region"() ({
      %run_scoped3A_1055 = tpu.sem_alloc : memref<!tpu.dma_semaphore, #tpu.memory_space<semaphore_mem>>
      %dma_start3A = arith.constant 2560 : i32
      %dma_start3A_1056 = tpu.memref_slice %arg8[%dma_start3A] : memref<7168xf32, #tpu.memory_space<vmem>> -> memref<512xf32, #tpu.memory_space<vmem>>
      %dma_start3A_1057 = tpu.memref_slice %arg4[%run_scoped3A_1046, %mul3A_2] : memref<14x16384xf32, #tpu.memory_space<hbm>> -> memref<1x512xf32, #tpu.memory_space<hbm>>
      %dma_start3A_1058 = tpu.memref_squeeze %dma_start3A_1057 : memref<1x512xf32, #tpu.memory_space<hbm>> -> memref<512xf32, #tpu.memory_space<hbm>>
      %dma_start3A_1059 = tpu.memref_slice %arg4[%run_scoped3A_1046, %mul3A_2] : memref<14x16384xf32, #tpu.memory_space<hbm>> -> memref<1x512xf32, #tpu.memory_space<hbm>>
      %dma_start3A_1060 = tpu.memref_squeeze %dma_start3A_1059 : memref<1x512xf32, #tpu.memory_space<hbm>> -> memref<512xf32, #tpu.memory_space<hbm>>
      %dma_start3A_1061 = arith.constant 2560 : i32
      %dma_start3A_1062 = tpu.memref_slice %arg8[%dma_start3A_1061] : memref<7168xf32, #tpu.memory_space<vmem>> -> memref<512xf32, #tpu.memory_space<vmem>>
      tpu.enqueue_dma source(%dma_start3A_1062 : memref<512xf32, #tpu.memory_space<vmem>>) target(%dma_start3A_1060 : memref<512xf32, #tpu.memory_space<hbm>>) target_semaphore(%run_scoped3A_1055 : memref<!tpu.dma_semaphore, #tpu.memory_space<semaphore_mem>>)
      %dma_wait3A = arith.constant 2560 : i32
      %dma_wait3A_1063 = tpu.memref_slice %arg8[%dma_wait3A] : memref<7168xf32, #tpu.memory_space<vmem>> -> memref<512xf32, #tpu.memory_space<vmem>>
      %dma_wait3A_1064 = tpu.memref_slice %arg4[%run_scoped3A_1046, %mul3A_2] : memref<14x16384xf32, #tpu.memory_space<hbm>> -> memref<1x512xf32, #tpu.memory_space<hbm>>
      %dma_wait3A_1065 = tpu.memref_squeeze %dma_wait3A_1064 : memref<1x512xf32, #tpu.memory_space<hbm>> -> memref<512xf32, #tpu.memory_space<hbm>>
      %dma_wait3A_1066 = tpu.memref_slice %arg4[%run_scoped3A_1046, %mul3A_2] : memref<14x16384xf32, #tpu.memory_space<hbm>> -> memref<1x512xf32, #tpu.memory_space<hbm>>
      %dma_wait3A_1067 = tpu.memref_squeeze %dma_wait3A_1066 : memref<1x512xf32, #tpu.memory_space<hbm>> -> memref<512xf32, #tpu.memory_space<hbm>>
      %dma_wait3A_1068 = arith.constant 2560 : i32
      %dma_wait3A_1069 = tpu.memref_slice %arg8[%dma_wait3A_1068] : memref<7168xf32, #tpu.memory_space<vmem>> -> memref<512xf32, #tpu.memory_space<vmem>>
      tpu.wait_dma2 semaphore(%run_scoped3A_1055 : memref<!tpu.dma_semaphore, #tpu.memory_space<semaphore_mem>>) src(%dma_wait3A_1069 : memref<512xf32, #tpu.memory_space<vmem>>) dst(%dma_wait3A_1067 : memref<512xf32, #tpu.memory_space<hbm>>)
      tpu.yield
    }) : () -> ()
    %run_scoped3A_1047 = arith.constant 6 : i32
    "tpu.region"() ({
      %run_scoped3A_1055 = tpu.sem_alloc : memref<!tpu.dma_semaphore, #tpu.memory_space<semaphore_mem>>
      %dma_start3A = arith.constant 3072 : i32
      %dma_start3A_1056 = tpu.memref_slice %arg8[%dma_start3A] : memref<7168xf32, #tpu.memory_space<vmem>> -> memref<512xf32, #tpu.memory_space<vmem>>
      %dma_start3A_1057 = tpu.memref_slice %arg4[%run_scoped3A_1047, %mul3A_2] : memref<14x16384xf32, #tpu.memory_space<hbm>> -> memref<1x512xf32, #tpu.memory_space<hbm>>
      %dma_start3A_1058 = tpu.memref_squeeze %dma_start3A_1057 : memref<1x512xf32, #tpu.memory_space<hbm>> -> memref<512xf32, #tpu.memory_space<hbm>>
      %dma_start3A_1059 = tpu.memref_slice %arg4[%run_scoped3A_1047, %mul3A_2] : memref<14x16384xf32, #tpu.memory_space<hbm>> -> memref<1x512xf32, #tpu.memory_space<hbm>>
      %dma_start3A_1060 = tpu.memref_squeeze %dma_start3A_1059 : memref<1x512xf32, #tpu.memory_space<hbm>> -> memref<512xf32, #tpu.memory_space<hbm>>
      %dma_start3A_1061 = arith.constant 3072 : i32
      %dma_start3A_1062 = tpu.memref_slice %arg8[%dma_start3A_1061] : memref<7168xf32, #tpu.memory_space<vmem>> -> memref<512xf32, #tpu.memory_space<vmem>>
      tpu.enqueue_dma source(%dma_start3A_1062 : memref<512xf32, #tpu.memory_space<vmem>>) target(%dma_start3A_1060 : memref<512xf32, #tpu.memory_space<hbm>>) target_semaphore(%run_scoped3A_1055 : memref<!tpu.dma_semaphore, #tpu.memory_space<semaphore_mem>>)
      %dma_wait3A = arith.constant 3072 : i32
      %dma_wait3A_1063 = tpu.memref_slice %arg8[%dma_wait3A] : memref<7168xf32, #tpu.memory_space<vmem>> -> memref<512xf32, #tpu.memory_space<vmem>>
      %dma_wait3A_1064 = tpu.memref_slice %arg4[%run_scoped3A_1047, %mul3A_2] : memref<14x16384xf32, #tpu.memory_space<hbm>> -> memref<1x512xf32, #tpu.memory_space<hbm>>
      %dma_wait3A_1065 = tpu.memref_squeeze %dma_wait3A_1064 : memref<1x512xf32, #tpu.memory_space<hbm>> -> memref<512xf32, #tpu.memory_space<hbm>>
      %dma_wait3A_1066 = tpu.memref_slice %arg4[%run_scoped3A_1047, %mul3A_2] : memref<14x16384xf32, #tpu.memory_space<hbm>> -> memref<1x512xf32, #tpu.memory_space<hbm>>
      %dma_wait3A_1067 = tpu.memref_squeeze %dma_wait3A_1066 : memref<1x512xf32, #tpu.memory_space<hbm>> -> memref<512xf32, #tpu.memory_space<hbm>>
      %dma_wait3A_1068 = arith.constant 3072 : i32
      %dma_wait3A_1069 = tpu.memref_slice %arg8[%dma_wait3A_1068] : memref<7168xf32, #tpu.memory_space<vmem>> -> memref<512xf32, #tpu.memory_space<vmem>>
      tpu.wait_dma2 semaphore(%run_scoped3A_1055 : memref<!tpu.dma_semaphore, #tpu.memory_space<semaphore_mem>>) src(%dma_wait3A_1069 : memref<512xf32, #tpu.memory_space<vmem>>) dst(%dma_wait3A_1067 : memref<512xf32, #tpu.memory_space<hbm>>)
      tpu.yield
    }) : () -> ()
    %run_scoped3A_1048 = arith.constant 7 : i32
    "tpu.region"() ({
      %run_scoped3A_1055 = tpu.sem_alloc : memref<!tpu.dma_semaphore, #tpu.memory_space<semaphore_mem>>
      %dma_start3A = arith.constant 3584 : i32
      %dma_start3A_1056 = tpu.memref_slice %arg8[%dma_start3A] : memref<7168xf32, #tpu.memory_space<vmem>> -> memref<512xf32, #tpu.memory_space<vmem>>
      %dma_start3A_1057 = tpu.memref_slice %arg4[%run_scoped3A_1048, %mul3A_2] : memref<14x16384xf32, #tpu.memory_space<hbm>> -> memref<1x512xf32, #tpu.memory_space<hbm>>
      %dma_start3A_1058 = tpu.memref_squeeze %dma_start3A_1057 : memref<1x512xf32, #tpu.memory_space<hbm>> -> memref<512xf32, #tpu.memory_space<hbm>>
      %dma_start3A_1059 = tpu.memref_slice %arg4[%run_scoped3A_1048, %mul3A_2] : memref<14x16384xf32, #tpu.memory_space<hbm>> -> memref<1x512xf32, #tpu.memory_space<hbm>>
      %dma_start3A_1060 = tpu.memref_squeeze %dma_start3A_1059 : memref<1x512xf32, #tpu.memory_space<hbm>> -> memref<512xf32, #tpu.memory_space<hbm>>
      %dma_start3A_1061 = arith.constant 3584 : i32
      %dma_start3A_1062 = tpu.memref_slice %arg8[%dma_start3A_1061] : memref<7168xf32, #tpu.memory_space<vmem>> -> memref<512xf32, #tpu.memory_space<vmem>>
      tpu.enqueue_dma source(%dma_start3A_1062 : memref<512xf32, #tpu.memory_space<vmem>>) target(%dma_start3A_1060 : memref<512xf32, #tpu.memory_space<hbm>>) target_semaphore(%run_scoped3A_1055 : memref<!tpu.dma_semaphore, #tpu.memory_space<semaphore_mem>>)
      %dma_wait3A = arith.constant 3584 : i32
      %dma_wait3A_1063 = tpu.memref_slice %arg8[%dma_wait3A] : memref<7168xf32, #tpu.memory_space<vmem>> -> memref<512xf32, #tpu.memory_space<vmem>>
      %dma_wait3A_1064 = tpu.memref_slice %arg4[%run_scoped3A_1048, %mul3A_2] : memref<14x16384xf32, #tpu.memory_space<hbm>> -> memref<1x512xf32, #tpu.memory_space<hbm>>
      %dma_wait3A_1065 = tpu.memref_squeeze %dma_wait3A_1064 : memref<1x512xf32, #tpu.memory_space<hbm>> -> memref<512xf32, #tpu.memory_space<hbm>>
      %dma_wait3A_1066 = tpu.memref_slice %arg4[%run_scoped3A_1048, %mul3A_2] : memref<14x16384xf32, #tpu.memory_space<hbm>> -> memref<1x512xf32, #tpu.memory_space<hbm>>
      %dma_wait3A_1067 = tpu.memref_squeeze %dma_wait3A_1066 : memref<1x512xf32, #tpu.memory_space<hbm>> -> memref<512xf32, #tpu.memory_space<hbm>>
      %dma_wait3A_1068 = arith.constant 3584 : i32
      %dma_wait3A_1069 = tpu.memref_slice %arg8[%dma_wait3A_1068] : memref<7168xf32, #tpu.memory_space<vmem>> -> memref<512xf32, #tpu.memory_space<vmem>>
      tpu.wait_dma2 semaphore(%run_scoped3A_1055 : memref<!tpu.dma_semaphore, #tpu.memory_space<semaphore_mem>>) src(%dma_wait3A_1069 : memref<512xf32, #tpu.memory_space<vmem>>) dst(%dma_wait3A_1067 : memref<512xf32, #tpu.memory_space<hbm>>)
      tpu.yield
    }) : () -> ()
    %run_scoped3A_1049 = arith.constant 8 : i32
    "tpu.region"() ({
      %run_scoped3A_1055 = tpu.sem_alloc : memref<!tpu.dma_semaphore, #tpu.memory_space<semaphore_mem>>
      %dma_start3A = arith.constant 4096 : i32
      %dma_start3A_1056 = tpu.memref_slice %arg8[%dma_start3A] : memref<7168xf32, #tpu.memory_space<vmem>> -> memref<512xf32, #tpu.memory_space<vmem>>
      %dma_start3A_1057 = tpu.memref_slice %arg4[%run_scoped3A_1049, %mul3A_2] : memref<14x16384xf32, #tpu.memory_space<hbm>> -> memref<1x512xf32, #tpu.memory_space<hbm>>
      %dma_start3A_1058 = tpu.memref_squeeze %dma_start3A_1057 : memref<1x512xf32, #tpu.memory_space<hbm>> -> memref<512xf32, #tpu.memory_space<hbm>>
      %dma_start3A_1059 = tpu.memref_slice %arg4[%run_scoped3A_1049, %mul3A_2] : memref<14x16384xf32, #tpu.memory_space<hbm>> -> memref<1x512xf32, #tpu.memory_space<hbm>>
      %dma_start3A_1060 = tpu.memref_squeeze %dma_start3A_1059 : memref<1x512xf32, #tpu.memory_space<hbm>> -> memref<512xf32, #tpu.memory_space<hbm>>
      %dma_start3A_1061 = arith.constant 4096 : i32
      %dma_start3A_1062 = tpu.memref_slice %arg8[%dma_start3A_1061] : memref<7168xf32, #tpu.memory_space<vmem>> -> memref<512xf32, #tpu.memory_space<vmem>>
      tpu.enqueue_dma source(%dma_start3A_1062 : memref<512xf32, #tpu.memory_space<vmem>>) target(%dma_start3A_1060 : memref<512xf32, #tpu.memory_space<hbm>>) target_semaphore(%run_scoped3A_1055 : memref<!tpu.dma_semaphore, #tpu.memory_space<semaphore_mem>>)
      %dma_wait3A = arith.constant 4096 : i32
      %dma_wait3A_1063 = tpu.memref_slice %arg8[%dma_wait3A] : memref<7168xf32, #tpu.memory_space<vmem>> -> memref<512xf32, #tpu.memory_space<vmem>>
      %dma_wait3A_1064 = tpu.memref_slice %arg4[%run_scoped3A_1049, %mul3A_2] : memref<14x16384xf32, #tpu.memory_space<hbm>> -> memref<1x512xf32, #tpu.memory_space<hbm>>
      %dma_wait3A_1065 = tpu.memref_squeeze %dma_wait3A_1064 : memref<1x512xf32, #tpu.memory_space<hbm>> -> memref<512xf32, #tpu.memory_space<hbm>>
      %dma_wait3A_1066 = tpu.memref_slice %arg4[%run_scoped3A_1049, %mul3A_2] : memref<14x16384xf32, #tpu.memory_space<hbm>> -> memref<1x512xf32, #tpu.memory_space<hbm>>
      %dma_wait3A_1067 = tpu.memref_squeeze %dma_wait3A_1066 : memref<1x512xf32, #tpu.memory_space<hbm>> -> memref<512xf32, #tpu.memory_space<hbm>>
      %dma_wait3A_1068 = arith.constant 4096 : i32
      %dma_wait3A_1069 = tpu.memref_slice %arg8[%dma_wait3A_1068] : memref<7168xf32, #tpu.memory_space<vmem>> -> memref<512xf32, #tpu.memory_space<vmem>>
      tpu.wait_dma2 semaphore(%run_scoped3A_1055 : memref<!tpu.dma_semaphore, #tpu.memory_space<semaphore_mem>>) src(%dma_wait3A_1069 : memref<512xf32, #tpu.memory_space<vmem>>) dst(%dma_wait3A_1067 : memref<512xf32, #tpu.memory_space<hbm>>)
      tpu.yield
    }) : () -> ()
    %run_scoped3A_1050 = arith.constant 9 : i32
    "tpu.region"() ({
      %run_scoped3A_1055 = tpu.sem_alloc : memref<!tpu.dma_semaphore, #tpu.memory_space<semaphore_mem>>
      %dma_start3A = arith.constant 4608 : i32
      %dma_start3A_1056 = tpu.memref_slice %arg8[%dma_start3A] : memref<7168xf32, #tpu.memory_space<vmem>> -> memref<512xf32, #tpu.memory_space<vmem>>
      %dma_start3A_1057 = tpu.memref_slice %arg4[%run_scoped3A_1050, %mul3A_2] : memref<14x16384xf32, #tpu.memory_space<hbm>> -> memref<1x512xf32, #tpu.memory_space<hbm>>
      %dma_start3A_1058 = tpu.memref_squeeze %dma_start3A_1057 : memref<1x512xf32, #tpu.memory_space<hbm>> -> memref<512xf32, #tpu.memory_space<hbm>>
      %dma_start3A_1059 = tpu.memref_slice %arg4[%run_scoped3A_1050, %mul3A_2] : memref<14x16384xf32, #tpu.memory_space<hbm>> -> memref<1x512xf32, #tpu.memory_space<hbm>>
      %dma_start3A_1060 = tpu.memref_squeeze %dma_start3A_1059 : memref<1x512xf32, #tpu.memory_space<hbm>> -> memref<512xf32, #tpu.memory_space<hbm>>
      %dma_start3A_1061 = arith.constant 4608 : i32
      %dma_start3A_1062 = tpu.memref_slice %arg8[%dma_start3A_1061] : memref<7168xf32, #tpu.memory_space<vmem>> -> memref<512xf32, #tpu.memory_space<vmem>>
      tpu.enqueue_dma source(%dma_start3A_1062 : memref<512xf32, #tpu.memory_space<vmem>>) target(%dma_start3A_1060 : memref<512xf32, #tpu.memory_space<hbm>>) target_semaphore(%run_scoped3A_1055 : memref<!tpu.dma_semaphore, #tpu.memory_space<semaphore_mem>>)
      %dma_wait3A = arith.constant 4608 : i32
      %dma_wait3A_1063 = tpu.memref_slice %arg8[%dma_wait3A] : memref<7168xf32, #tpu.memory_space<vmem>> -> memref<512xf32, #tpu.memory_space<vmem>>
      %dma_wait3A_1064 = tpu.memref_slice %arg4[%run_scoped3A_1050, %mul3A_2] : memref<14x16384xf32, #tpu.memory_space<hbm>> -> memref<1x512xf32, #tpu.memory_space<hbm>>
      %dma_wait3A_1065 = tpu.memref_squeeze %dma_wait3A_1064 : memref<1x512xf32, #tpu.memory_space<hbm>> -> memref<512xf32, #tpu.memory_space<hbm>>
      %dma_wait3A_1066 = tpu.memref_slice %arg4[%run_scoped3A_1050, %mul3A_2] : memref<14x16384xf32, #tpu.memory_space<hbm>> -> memref<1x512xf32, #tpu.memory_space<hbm>>
      %dma_wait3A_1067 = tpu.memref_squeeze %dma_wait3A_1066 : memref<1x512xf32, #tpu.memory_space<hbm>> -> memref<512xf32, #tpu.memory_space<hbm>>
      %dma_wait3A_1068 = arith.constant 4608 : i32
      %dma_wait3A_1069 = tpu.memref_slice %arg8[%dma_wait3A_1068] : memref<7168xf32, #tpu.memory_space<vmem>> -> memref<512xf32, #tpu.memory_space<vmem>>
      tpu.wait_dma2 semaphore(%run_scoped3A_1055 : memref<!tpu.dma_semaphore, #tpu.memory_space<semaphore_mem>>) src(%dma_wait3A_1069 : memref<512xf32, #tpu.memory_space<vmem>>) dst(%dma_wait3A_1067 : memref<512xf32, #tpu.memory_space<hbm>>)
      tpu.yield
    }) : () -> ()
    %run_scoped3A_1051 = arith.constant 10 : i32
    "tpu.region"() ({
      %run_scoped3A_1055 = tpu.sem_alloc : memref<!tpu.dma_semaphore, #tpu.memory_space<semaphore_mem>>
      %dma_start3A = arith.constant 5120 : i32
      %dma_start3A_1056 = tpu.memref_slice %arg8[%dma_start3A] : memref<7168xf32, #tpu.memory_space<vmem>> -> memref<512xf32, #tpu.memory_space<vmem>>
      %dma_start3A_1057 = tpu.memref_slice %arg4[%run_scoped3A_1051, %mul3A_2] : memref<14x16384xf32, #tpu.memory_space<hbm>> -> memref<1x512xf32, #tpu.memory_space<hbm>>
      %dma_start3A_1058 = tpu.memref_squeeze %dma_start3A_1057 : memref<1x512xf32, #tpu.memory_space<hbm>> -> memref<512xf32, #tpu.memory_space<hbm>>
      %dma_start3A_1059 = tpu.memref_slice %arg4[%run_scoped3A_1051, %mul3A_2] : memref<14x16384xf32, #tpu.memory_space<hbm>> -> memref<1x512xf32, #tpu.memory_space<hbm>>
      %dma_start3A_1060 = tpu.memref_squeeze %dma_start3A_1059 : memref<1x512xf32, #tpu.memory_space<hbm>> -> memref<512xf32, #tpu.memory_space<hbm>>
      %dma_start3A_1061 = arith.constant 5120 : i32
      %dma_start3A_1062 = tpu.memref_slice %arg8[%dma_start3A_1061] : memref<7168xf32, #tpu.memory_space<vmem>> -> memref<512xf32, #tpu.memory_space<vmem>>
      tpu.enqueue_dma source(%dma_start3A_1062 : memref<512xf32, #tpu.memory_space<vmem>>) target(%dma_start3A_1060 : memref<512xf32, #tpu.memory_space<hbm>>) target_semaphore(%run_scoped3A_1055 : memref<!tpu.dma_semaphore, #tpu.memory_space<semaphore_mem>>)
      %dma_wait3A = arith.constant 5120 : i32
      %dma_wait3A_1063 = tpu.memref_slice %arg8[%dma_wait3A] : memref<7168xf32, #tpu.memory_space<vmem>> -> memref<512xf32, #tpu.memory_space<vmem>>
      %dma_wait3A_1064 = tpu.memref_slice %arg4[%run_scoped3A_1051, %mul3A_2] : memref<14x16384xf32, #tpu.memory_space<hbm>> -> memref<1x512xf32, #tpu.memory_space<hbm>>
      %dma_wait3A_1065 = tpu.memref_squeeze %dma_wait3A_1064 : memref<1x512xf32, #tpu.memory_space<hbm>> -> memref<512xf32, #tpu.memory_space<hbm>>
      %dma_wait3A_1066 = tpu.memref_slice %arg4[%run_scoped3A_1051, %mul3A_2] : memref<14x16384xf32, #tpu.memory_space<hbm>> -> memref<1x512xf32, #tpu.memory_space<hbm>>
      %dma_wait3A_1067 = tpu.memref_squeeze %dma_wait3A_1066 : memref<1x512xf32, #tpu.memory_space<hbm>> -> memref<512xf32, #tpu.memory_space<hbm>>
      %dma_wait3A_1068 = arith.constant 5120 : i32
      %dma_wait3A_1069 = tpu.memref_slice %arg8[%dma_wait3A_1068] : memref<7168xf32, #tpu.memory_space<vmem>> -> memref<512xf32, #tpu.memory_space<vmem>>
      tpu.wait_dma2 semaphore(%run_scoped3A_1055 : memref<!tpu.dma_semaphore, #tpu.memory_space<semaphore_mem>>) src(%dma_wait3A_1069 : memref<512xf32, #tpu.memory_space<vmem>>) dst(%dma_wait3A_1067 : memref<512xf32, #tpu.memory_space<hbm>>)
      tpu.yield
    }) : () -> ()
    %run_scoped3A_1052 = arith.constant 11 : i32
    "tpu.region"() ({
      %run_scoped3A_1055 = tpu.sem_alloc : memref<!tpu.dma_semaphore, #tpu.memory_space<semaphore_mem>>
      %dma_start3A = arith.constant 5632 : i32
      %dma_start3A_1056 = tpu.memref_slice %arg8[%dma_start3A] : memref<7168xf32, #tpu.memory_space<vmem>> -> memref<512xf32, #tpu.memory_space<vmem>>
      %dma_start3A_1057 = tpu.memref_slice %arg4[%run_scoped3A_1052, %mul3A_2] : memref<14x16384xf32, #tpu.memory_space<hbm>> -> memref<1x512xf32, #tpu.memory_space<hbm>>
      %dma_start3A_1058 = tpu.memref_squeeze %dma_start3A_1057 : memref<1x512xf32, #tpu.memory_space<hbm>> -> memref<512xf32, #tpu.memory_space<hbm>>
      %dma_start3A_1059 = tpu.memref_slice %arg4[%run_scoped3A_1052, %mul3A_2] : memref<14x16384xf32, #tpu.memory_space<hbm>> -> memref<1x512xf32, #tpu.memory_space<hbm>>
      %dma_start3A_1060 = tpu.memref_squeeze %dma_start3A_1059 : memref<1x512xf32, #tpu.memory_space<hbm>> -> memref<512xf32, #tpu.memory_space<hbm>>
      %dma_start3A_1061 = arith.constant 5632 : i32
      %dma_start3A_1062 = tpu.memref_slice %arg8[%dma_start3A_1061] : memref<7168xf32, #tpu.memory_space<vmem>> -> memref<512xf32, #tpu.memory_space<vmem>>
      tpu.enqueue_dma source(%dma_start3A_1062 : memref<512xf32, #tpu.memory_space<vmem>>) target(%dma_start3A_1060 : memref<512xf32, #tpu.memory_space<hbm>>) target_semaphore(%run_scoped3A_1055 : memref<!tpu.dma_semaphore, #tpu.memory_space<semaphore_mem>>)
      %dma_wait3A = arith.constant 5632 : i32
      %dma_wait3A_1063 = tpu.memref_slice %arg8[%dma_wait3A] : memref<7168xf32, #tpu.memory_space<vmem>> -> memref<512xf32, #tpu.memory_space<vmem>>
      %dma_wait3A_1064 = tpu.memref_slice %arg4[%run_scoped3A_1052, %mul3A_2] : memref<14x16384xf32, #tpu.memory_space<hbm>> -> memref<1x512xf32, #tpu.memory_space<hbm>>
      %dma_wait3A_1065 = tpu.memref_squeeze %dma_wait3A_1064 : memref<1x512xf32, #tpu.memory_space<hbm>> -> memref<512xf32, #tpu.memory_space<hbm>>
      %dma_wait3A_1066 = tpu.memref_slice %arg4[%run_scoped3A_1052, %mul3A_2] : memref<14x16384xf32, #tpu.memory_space<hbm>> -> memref<1x512xf32, #tpu.memory_space<hbm>>
      %dma_wait3A_1067 = tpu.memref_squeeze %dma_wait3A_1066 : memref<1x512xf32, #tpu.memory_space<hbm>> -> memref<512xf32, #tpu.memory_space<hbm>>
      %dma_wait3A_1068 = arith.constant 5632 : i32
      %dma_wait3A_1069 = tpu.memref_slice %arg8[%dma_wait3A_1068] : memref<7168xf32, #tpu.memory_space<vmem>> -> memref<512xf32, #tpu.memory_space<vmem>>
      tpu.wait_dma2 semaphore(%run_scoped3A_1055 : memref<!tpu.dma_semaphore, #tpu.memory_space<semaphore_mem>>) src(%dma_wait3A_1069 : memref<512xf32, #tpu.memory_space<vmem>>) dst(%dma_wait3A_1067 : memref<512xf32, #tpu.memory_space<hbm>>)
      tpu.yield
    }) : () -> ()
    %run_scoped3A_1053 = arith.constant 12 : i32
    "tpu.region"() ({
      %run_scoped3A_1055 = tpu.sem_alloc : memref<!tpu.dma_semaphore, #tpu.memory_space<semaphore_mem>>
      %dma_start3A = arith.constant 6144 : i32
      %dma_start3A_1056 = tpu.memref_slice %arg8[%dma_start3A] : memref<7168xf32, #tpu.memory_space<vmem>> -> memref<512xf32, #tpu.memory_space<vmem>>
      %dma_start3A_1057 = tpu.memref_slice %arg4[%run_scoped3A_1053, %mul3A_2] : memref<14x16384xf32, #tpu.memory_space<hbm>> -> memref<1x512xf32, #tpu.memory_space<hbm>>
      %dma_start3A_1058 = tpu.memref_squeeze %dma_start3A_1057 : memref<1x512xf32, #tpu.memory_space<hbm>> -> memref<512xf32, #tpu.memory_space<hbm>>
      %dma_start3A_1059 = tpu.memref_slice %arg4[%run_scoped3A_1053, %mul3A_2] : memref<14x16384xf32, #tpu.memory_space<hbm>> -> memref<1x512xf32, #tpu.memory_space<hbm>>
      %dma_start3A_1060 = tpu.memref_squeeze %dma_start3A_1059 : memref<1x512xf32, #tpu.memory_space<hbm>> -> memref<512xf32, #tpu.memory_space<hbm>>
      %dma_start3A_1061 = arith.constant 6144 : i32
      %dma_start3A_1062 = tpu.memref_slice %arg8[%dma_start3A_1061] : memref<7168xf32, #tpu.memory_space<vmem>> -> memref<512xf32, #tpu.memory_space<vmem>>
      tpu.enqueue_dma source(%dma_start3A_1062 : memref<512xf32, #tpu.memory_space<vmem>>) target(%dma_start3A_1060 : memref<512xf32, #tpu.memory_space<hbm>>) target_semaphore(%run_scoped3A_1055 : memref<!tpu.dma_semaphore, #tpu.memory_space<semaphore_mem>>)
      %dma_wait3A = arith.constant 6144 : i32
      %dma_wait3A_1063 = tpu.memref_slice %arg8[%dma_wait3A] : memref<7168xf32, #tpu.memory_space<vmem>> -> memref<512xf32, #tpu.memory_space<vmem>>
      %dma_wait3A_1064 = tpu.memref_slice %arg4[%run_scoped3A_1053, %mul3A_2] : memref<14x16384xf32, #tpu.memory_space<hbm>> -> memref<1x512xf32, #tpu.memory_space<hbm>>
      %dma_wait3A_1065 = tpu.memref_squeeze %dma_wait3A_1064 : memref<1x512xf32, #tpu.memory_space<hbm>> -> memref<512xf32, #tpu.memory_space<hbm>>
      %dma_wait3A_1066 = tpu.memref_slice %arg4[%run_scoped3A_1053, %mul3A_2] : memref<14x16384xf32, #tpu.memory_space<hbm>> -> memref<1x512xf32, #tpu.memory_space<hbm>>
      %dma_wait3A_1067 = tpu.memref_squeeze %dma_wait3A_1066 : memref<1x512xf32, #tpu.memory_space<hbm>> -> memref<512xf32, #tpu.memory_space<hbm>>
      %dma_wait3A_1068 = arith.constant 6144 : i32
      %dma_wait3A_1069 = tpu.memref_slice %arg8[%dma_wait3A_1068] : memref<7168xf32, #tpu.memory_space<vmem>> -> memref<512xf32, #tpu.memory_space<vmem>>
      tpu.wait_dma2 semaphore(%run_scoped3A_1055 : memref<!tpu.dma_semaphore, #tpu.memory_space<semaphore_mem>>) src(%dma_wait3A_1069 : memref<512xf32, #tpu.memory_space<vmem>>) dst(%dma_wait3A_1067 : memref<512xf32, #tpu.memory_space<hbm>>)
      tpu.yield
    }) : () -> ()
    %run_scoped3A_1054 = arith.constant 13 : i32
    "tpu.region"() ({
      %run_scoped3A_1055 = tpu.sem_alloc : memref<!tpu.dma_semaphore, #tpu.memory_space<semaphore_mem>>
      %dma_start3A = arith.constant 6656 : i32
      %dma_start3A_1056 = tpu.memref_slice %arg8[%dma_start3A] : memref<7168xf32, #tpu.memory_space<vmem>> -> memref<512xf32, #tpu.memory_space<vmem>>
      %dma_start3A_1057 = tpu.memref_slice %arg4[%run_scoped3A_1054, %mul3A_2] : memref<14x16384xf32, #tpu.memory_space<hbm>> -> memref<1x512xf32, #tpu.memory_space<hbm>>
      %dma_start3A_1058 = tpu.memref_squeeze %dma_start3A_1057 : memref<1x512xf32, #tpu.memory_space<hbm>> -> memref<512xf32, #tpu.memory_space<hbm>>
      %dma_start3A_1059 = tpu.memref_slice %arg4[%run_scoped3A_1054, %mul3A_2] : memref<14x16384xf32, #tpu.memory_space<hbm>> -> memref<1x512xf32, #tpu.memory_space<hbm>>
      %dma_start3A_1060 = tpu.memref_squeeze %dma_start3A_1059 : memref<1x512xf32, #tpu.memory_space<hbm>> -> memref<512xf32, #tpu.memory_space<hbm>>
      %dma_start3A_1061 = arith.constant 6656 : i32
      %dma_start3A_1062 = tpu.memref_slice %arg8[%dma_start3A_1061] : memref<7168xf32, #tpu.memory_space<vmem>> -> memref<512xf32, #tpu.memory_space<vmem>>
      tpu.enqueue_dma source(%dma_start3A_1062 : memref<512xf32, #tpu.memory_space<vmem>>) target(%dma_start3A_1060 : memref<512xf32, #tpu.memory_space<hbm>>) target_semaphore(%run_scoped3A_1055 : memref<!tpu.dma_semaphore, #tpu.memory_space<semaphore_mem>>)
      %dma_wait3A = arith.constant 6656 : i32
      %dma_wait3A_1063 = tpu.memref_slice %arg8[%dma_wait3A] : memref<7168xf32, #tpu.memory_space<vmem>> -> memref<512xf32, #tpu.memory_space<vmem>>
      %dma_wait3A_1064 = tpu.memref_slice %arg4[%run_scoped3A_1054, %mul3A_2] : memref<14x16384xf32, #tpu.memory_space<hbm>> -> memref<1x512xf32, #tpu.memory_space<hbm>>
      %dma_wait3A_1065 = tpu.memref_squeeze %dma_wait3A_1064 : memref<1x512xf32, #tpu.memory_space<hbm>> -> memref<512xf32, #tpu.memory_space<hbm>>
      %dma_wait3A_1066 = tpu.memref_slice %arg4[%run_scoped3A_1054, %mul3A_2] : memref<14x16384xf32, #tpu.memory_space<hbm>> -> memref<1x512xf32, #tpu.memory_space<hbm>>
      %dma_wait3A_1067 = tpu.memref_squeeze %dma_wait3A_1066 : memref<1x512xf32, #tpu.memory_space<hbm>> -> memref<512xf32, #tpu.memory_space<hbm>>
      %dma_wait3A_1068 = arith.constant 6656 : i32
      %dma_wait3A_1069 = tpu.memref_slice %arg8[%dma_wait3A_1068] : memref<7168xf32, #tpu.memory_space<vmem>> -> memref<512xf32, #tpu.memory_space<vmem>>
      tpu.wait_dma2 semaphore(%run_scoped3A_1055 : memref<!tpu.dma_semaphore, #tpu.memory_space<semaphore_mem>>) src(%dma_wait3A_1069 : memref<512xf32, #tpu.memory_space<vmem>>) dst(%dma_wait3A_1067 : memref<512xf32, #tpu.memory_space<hbm>>)
      tpu.yield
    }) : () -> ()
    return
  }
}

</mosaic_0001>

<sc_bundles>
// kernel: kernel.3.cloned.1.call-start
scs
__scs_entry_jumppad:
0x0: {  	(pc) =	sbr.rel $0x88, $3  }
0x1: {  	(tag) =	ssettag $0x0;
	lr =	simm.s32 $0x1  }
0x2: {  	[smem:$0x3F9F] =	sst lr;
	_ =	strace $0xD0000000  }
0x3: {  	_ = 	snop  }
0x4: {  	_ = 	snop  }
0x5: {  	_ = 	snop  }
0x6: {  	_ = 	snop  }
0x7: {  	_ = 	snop  }
__scs_overlays_trampoline_lowered:
0x8: {  	[smem:$0x3FAE] =	sst s0  }
0x9: {  	[smem:$0x3FAF] =	sst s1  }
0xa: {  	[smem:$0x3FB0] =	sst s2  }
0xb: {  	[smem:$0x3FB1] =	sst s3  }
0xc: {  	[smem:$0x3FB2] =	sst s4  }
0xd: {  	[smem:$0x3FB3] =	sst s5  }
0xe: {  	[smem:$0x3FB4] =	sst s6  }
0xf: {  	[smem:$0x3FB5] =	sst s7  }
0x10: {  	[smem:$0x3FB6] =	sst s8  }
0x11: {  	[smem:$0x3FB7] =	sst s9;
	s0 =	simm.s32 @!p0 $0x0  }
0x12: {  	s1 =	sld [smem:$0x3F9D];
	s0 =	simm.s32 @p0 $0x1  }
0x13: {  	[smem:$0x3FB8] =	sst s0;
	s0 =	simm.s32 @!p1 $0x0  }
0x14: {  	s2 =	sld [smem:$0x3F9C];
	s0 =	simm.s32 @p1 $0x1  }
0x15: {  	[smem:$0x3FB9] =	sst s0;
	s0 =	simm.s32 @!p2 $0x0  }
0x16: {  	s3 =	sld [smem:$0x3FDB];
	s0 =	simm.s32 @p2 $0x1  }
0x17: {  	s4 =	simm.s32 $0x1BF5;
	[smem:$0x3FBB] =	sst s0  }
0x18: {  	s0 =	sld [smem:$0x3F9E];
	_ =	swait.ge [sflag:s4], $0x0  }
0x19: {  	s7 =	sld [smem:$0x3F9F]  }
0x1a: {  	s8 =	sadd.s32 $0xFFFFE003, lr  }
0x1b: {  	s9 =	sadd.s32 $0xFFFFFEF7, lr;
	s5 =	simm.s32 $0xFFFFFFFF;
	p2 =	slt.u32 s8, $0xFFFFF086  }
0x1c: {  	p1 =	slt.u32 s9, $0xF7A;
	s5 =	simm.s32 @!p2 $0x0  }
0x1d: {  	s5 =	simm.s32 @p1 $0x1;
	p0 =	seq.s32 s7, s2  }
0x1e: {  	s7 =	smul.u32 @!p0 $0xF7A, s2;
	p2 =	seq.s32 @!p0 s5, $0x0  }
0x1f: {  	s9 =	smul.u32 $0xF7A, s1;
	s8 =	simm.s32 @!p0 $0x1BF5;
	p2 =	por !p2, p0  }
0x20: {  	[sflag:s8] =	ssyncset.s32 @!p0 $0xFFFFF086;
	s6 =	sadd.s32 @!p0 s3, s7;
	s7 =	simm.s32 @!p0 $0x108  }
0x21: {  	s3 =	sadd.s32 s3, s9;
	s6 =	sadd.s32 @!p0 $0x88, s6;
	s7 =	simm.s32 @p2 $0x1082  }
0x22: {  	[simem:s7], [sflag:s8] =	dma.local @!p0 [hbm:s6], $0xF7A  }
0x23: {  	s9 =	sor.u32 $0xD0000000, s2;
	s6 =	simm.s32 $0x108;
	_ =	swait.ge @!p0 [sflag:s8], $0x0  }
0x24: {  	s3 =	sadd.s32 $0x88, s3;
	s6 =	simm.s32 @!p1 $0x1082;
	[sflag:s4] =	ssyncset.s32 $0xFFFFF086  }
0x25: {  	[simem:s6], [sflag:s4] =	dma.local [hbm:s3], $0xF7A  }
0x26: {  	[smem:$0x3F9F] =	sst s1;
	(tag) =	ssettag s2;
	_ =	strace s9  }
0x27: {  	s1 =	sld [smem:$0x3FAF]  }
0x28: {  	s2 =	sld [smem:$0x3FB0]  }
0x29: {  	s4 =	sld [smem:$0x3FB2]  }
0x2a: {  	p0 =	seq.s32 s5, $0x0;
	s5 =	sld [smem:$0x3FB3]  }
0x2b: {  	s6 =	sld [smem:$0x3FB4]  }
0x2c: {  	s7 =	sld [smem:$0x3FB5]  }
0x2d: {  	s3 =	simm.s32 $0x108;
	s8 =	sld [smem:$0x3FB6]  }
0x2e: {  	s3 =	simm.s32 @!p0 $0x1082;
	s9 =	sld [smem:$0x3FB7]  }
0x2f: {  	lr =	sadd.s32 s0, s3;
	s0 =	sld [smem:$0x3FAE]  }
0x30: {  	s3 =	sld [smem:$0x3FB1]  }
0x31: {  	[smem:$0x3FBA] =	sst s10  }
0x32: {  	s10 =	sld [smem:$0x3FB8];
	_ =	sdelay $0x3  }
0x33: {  	p0 =	seq.s32 s10, $0x1;
	s10 =	sld [smem:$0x3FBA];
	_ =	sdelay $0x3  }
0x34: {  	[smem:$0x3FBA] =	sst s10  }
0x35: {  	s10 =	sld [smem:$0x3FB9];
	_ =	sdelay $0x3  }
0x36: {  	p1 =	seq.s32 s10, $0x1;
	s10 =	sld [smem:$0x3FBA];
	_ =	sdelay $0x3  }
0x37: {  	[smem:$0x3FBA] =	sst s10  }
0x38: {  	s10 =	sld [smem:$0x3FBB]  }
0x39: {  	_ = 	snop;
	(pc) =	sbr.ind lr, $3  }
0x3a: {  	_ = 	snop  }
0x3b: {  	_ = 	snop  }
0x3c: {  	p2 =	seq.s32 s10, $0x1;
	s10 =	sld [smem:$0x3FBA]  }
0x3d: {  	_ =	shalt  }
0x3e: {  	_ =	shalt  }
0x3f: {  	_ =	shalt  }
0x40: {  	_ =	shalt  }
0x41: {  	_ =	shalt  }
0x42: {  	_ =	shalt  }
0x43: {  	_ =	shalt  }
0x44: {  	_ =	shalt  }
0x45: {  	_ =	shalt  }
0x46: {  	_ =	shalt  }
0x47: {  	_ =	shalt  }
0x48: {  	_ =	shalt  }
0x49: {  	_ =	shalt  }
0x4a: {  	_ =	shalt  }
0x4b: {  	_ =	shalt  }
0x4c: {  	_ =	shalt  }
0x4d: {  	_ =	shalt  }
0x4e: {  	_ =	shalt  }
0x4f: {  	_ =	shalt  }
0x50: {  	_ =	shalt  }
0x51: {  	_ =	shalt  }
0x52: {  	_ =	shalt  }
0x53: {  	_ =	shalt  }
0x54: {  	_ =	shalt  }
0x55: {  	_ =	shalt  }
0x56: {  	_ =	shalt  }
0x57: {  	_ =	shalt  }
0x58: {  	_ =	shalt  }
0x59: {  	_ =	shalt  }
0x5a: {  	_ =	shalt  }
0x5b: {  	_ =	shalt  }
0x5c: {  	_ =	shalt  }
0x5d: {  	_ =	shalt  }
0x5e: {  	_ =	shalt  }
0x5f: {  	_ =	shalt  }
0x60: {  	_ =	shalt  }
0x61: {  	_ =	shalt  }
0x62: {  	_ =	shalt  }
0x63: {  	_ =	shalt  }
0x64: {  	_ =	shalt  }
0x65: {  	_ =	shalt  }
0x66: {  	_ =	shalt  }
0x67: {  	_ =	shalt  }
0x68: {  	_ =	shalt  }
0x69: {  	_ =	shalt  }
0x6a: {  	_ =	shalt  }
0x6b: {  	_ =	shalt  }
0x6c: {  	_ =	shalt  }
0x6d: {  	_ =	shalt  }
0x6e: {  	_ =	shalt  }
0x6f: {  	_ =	shalt  }
0x70: {  	_ =	shalt  }
0x71: {  	_ =	shalt  }
0x72: {  	_ =	shalt  }
0x73: {  	_ =	shalt  }
0x74: {  	_ =	shalt  }
0x75: {  	_ =	shalt  }
0x76: {  	_ =	shalt  }
0x77: {  	_ =	shalt  }
0x78: {  	_ =	shalt  }
0x79: {  	_ =	shalt  }
0x7a: {  	_ =	shalt  }
0x7b: {  	_ =	shalt  }
0x7c: {  	_ =	shalt  }
0x7d: {  	_ =	shalt  }
0x7e: {  	_ =	shalt  }
0x7f: {  	_ =	shalt  }
0x80: {  	_ =	shalt  }
0x81: {  	_ =	shalt  }
0x82: {  	_ =	shalt  }
0x83: {  	_ =	shalt  }
0x84: {  	_ =	shalt  }
0x85: {  	_ =	shalt  }
0x86: {  	_ =	shalt  }
0x87: {  	_ =	shalt  }
.Lfunc_end0:
.L_simem_size_0:
called_computation_lowered:
.L_overlay_start_0:
0x88: {  	s2 =	sld [smem:$0x3FD9]  }
0x89: {  	s3 =	sld [smem:$0x3FFE];
	_ =	sdelay $0x1  }
0x8a: {  	s1 =	srdreg.scid  }
0x8b: {  	s0 =	sand.u32 $0x1, s1  }
0x8c: {  	s17 =	sshll.u32 s0, $0xA;
	s2 =	sadd.s32 s3, s2  }
0x8d: {  	s2 =	sadd.s32 s2, s17  }
0x8e: {  	[smem:$0x3FC6] =	sst s2  }
0x8f: {  	_ = 	snop  }
0x90: {  	s2 =	sld [smem:$0x3FD0];
	(tm) =	ssettm $0x1  }
0x91: {  	s18 =	sld [smem:$0x3FFB];
	_ =	sdelay $0x3  }
0x92: {  	_ =	strace s18  }
0x93: {  	s3 =	sld [smem:$0x3FFC];
	_ =	sdelay $0x3  }
0x94: {  	_ =	strace s3  }
0x95: {  	s3 =	sld [smem:$0x3FFD];
	_ =	sdelay $0x3  }
0x96: {  	_ =	strace s3  }
0x97: {  	_ =	strace $0x8FFFFFFF  }
0x98: {  	s19 =	sld [smem:$0x3FDB];
	_ =	sdelay $0x1  }
0x99: {  	s4 =	simm.s32 $_scs_section_size  }
0x9a: {  	s5 =	simm.s32 $_size__tile_overlayer_lowered;
	s6 =	simm.s32 $_tile_overlayer_lowered  }
0x9b: {  	s22 =	simm.s32 $0x1BFF;
	s21 =	sshll.u32 s6, $0x1;
	s3 =	sadd.s32 s4, s19  }
0x9c: {  	s7 =	simm.s32 $0x0;
	s20 =	sshll.u32 s5, $0x1;
	s5 =	sadd.s32 s21, s3  }
0x9d: {  	[timem:s7], [sflag:s22] =	dma.local [hbm:s5], s20  }
0x9e: {  	_ =	swait.ge [sflag:s22], s20  }
0x9f: {  	s4 =	ssub.s32 $0x0, s20;
	[sflag:s22] =	ssyncset.done $0x0  }
0xa0: {  	[sflag:s22] =	ssyncadd.s32 s4;
	_ =	sdelay $0x1  }
0xa1: {  	s23 =	simm.s32 $0x1B8B  }
0xa2: {  	_ =	swait.ge [sflag:s23], $0x1  }
0xa3: {  	[sflag:s23] =	ssyncset.done $0x0  }
0xa4: {  	s25 =	simm.s32 $0x1B8E;
	s24 =	sld [smem:$0x3FFE];
	[sflag:s23] =	ssyncadd.s32 $0xFFFFFFFF  }
0xa5: {  	s26 =	simm.s32 $execute0_lowered;
	[smem:$0x3FD2] =	sst s25  }
0xa6: {  	s5 =	sshll.u32 s26, $0x1;
	_ =	strace $0x80000046;
	[dreg:$0x1] =	wrdreg $0xFFFFFFFF  }
0xa7: {  	s28 =	simm.s32 $_size_execute0_lowered;
	s3 =	sadd.s32 s3, s5;
	[dreg:$0x0] =	wrdreg $0x0  }
0xa8: {  	s5 =	sshll.u32 s28, $0x1;
	[dreg:$0x2] =	wrdreg s3  }
0xa9: {  	[dreg:$0x3] =	wrdreg s5  }
0xaa: {  	[dreg:$0x4] =	wrdreg $0xC0  }
0xab: {  	_ =	task [dreg:s7], $0x5FFFF  }
0xac: {  	[dreg:$0x1] =	wrdreg $0xFFFFFFFF  }
0xad: {  	[dreg:$0x0] =	wrdreg $0x60  }
0xae: {  	[dreg:$0x2] =	wrdreg s24  }
0xaf: {  	[dreg:$0x3] =	wrdreg s2  }
0xb0: {  	[dreg:$0x4] =	wrdreg $0x9  }
0xb1: {  	_ =	task.clear_ibuf [dreg:s7], $0x5FFFF;
	_ =	strace $0x90000046  }
0xb2: {  	s29 =	simm.s32 $0x9;
	_ =	strace $0x80000048  }
0xb3: {  	_ =	swait.ge [sflag:s29], $0x1  }
0xb4: {  	[sflag:s29] =	ssyncadd.s32 $0xFFFFFFFF  }
0xb5: {  	_ =	strace $0x90000048  }
0xb6: {  	_ =	sfence  }
0xb7: {  	s30 =	sld [smem:$0x0];
	_ =	sdelay $0x2  }
0xb8: {  	s31 =	sshll.u32 s1, $0xD;
	s1 =	sshrl.u32 s1, $0x2  }
0xb9: {  	s3 =	sand.u32 $0x4000, s31;
	s1 =	sadd.s32 s1, s30  }
0xba: {  	s0 =	sor.u32 s3, s0;
	s1 =	sshll.u32 s1, $0x11  }
0xbb: {  	s0 =	sor.u32 s1, s0  }
0xbc: {  	s0 =	sadd.s32 $0x8F2B, s0  }
0xbd: {  	[sflag:s0] =	ssyncadd.remote.s32 $0x1  }
0xbe: {  	_ =	sfence.sel $0xFFFF  }
0xbf: {  	[dreg:$0x0] =	wrdreg $0xFFFFFFFF;
	(pc) =	sbr.abs _section_cstart, $3  }
0xc0: {  	[dreg:$0x1] =	wrdreg $0xFFFFFFFF  }
0xc1: {  	_ =	task.clear_ibuf [dreg:s7], $0x2FFFF;
	_ =	strace $0x9FFFFFFF  }
0xc2: {  	(tm) =	ssettm $0x7FFFFFFF  }
0xc3: {  	_ =	shalt  }
tec
execute0_lowered:
.L_overlay_start_1:
0x0: {  	(tag) =	ssettag $0x1  }
0x1: {  	s0 =	rddreg [dreg:$0x0]  }
0x2: {  	s1 =	rddreg [dreg:$0x1]  }
0x3: {  	s2 =	srdreg.scid;
	s4 =	stileid.u32  }
0x4: {  	s20 =	simm.s32 $0x1;
	s21 =	simm.s32 $0x80;
	s22 =	simm.s32 $0x280  }
0x5: {  	s23 =	simm.s32 $0x400;
	s30 =	simm.s32 $0x0;
	s3 =	sand.u32 $0x1, s2  }
0x6: {  	s2 =	simm.s32 $0x0;
	s4 =	sshll.u32 s4, $0xA;
	s6 =	sadd.s32 $0xC00, s0  }
0x7: {  	v0 =	vimm.s32 $0x65432100;
	v1 =	vimm.s32 $0xEDCBA987;
	s5 =	sshll.u32 s3, $0x9;
	[smem:$0x7FF] =	sst s2;
	s3 =	ssub.s32 $0x2, s3  }
0x8: {  	v2 =	vimm.s32 $0xFEDCBA98;
	v3 =	vimm.s32 $0x76543211;
	s4 =	sor.u32 s5, s4;
	_ =	strace $0x80000047;
	s31 =	sshrl.u32 s3, $0x1  }
0x9: {  	v1 =	vunpack.c.l.s4.s8 v1;
	v2 =	vunpack.c.l.s4.s8 v2;
	v3 =	vunpack.c.l.s4.s8 v3;
	[dreg:$0x3] =	wrdreg s6;
	s5 =	sshrl.u32 s4, $0x3;
	s3 =	ssub.s32 s3, s31  }
0xa: {  	v7 =	vlaneseq.u32;
	v0 =	vunpack.c.l.s4.s8 v0;
	s0 =	sadd.s32 s5, s0;
	s5 =	sadd.s32 s1, s4;
	s19 =	smax.u32 s3, $0x1  }
0xb: {  	v1 =	vunpack.c.0.s8.s32 v1;
	v2 =	vunpack.c.0.s8.s32 v2;
	v3 =	vunpack.c.0.s8.s32 v3;
	s0 =	sadd.s32 $0x400, s0;
	s6 =	sadd.s32 $0x10, s5;
	s7 =	sadd.s32 $0x20, s5  }
0xc: {  	vm0 =	vmmov $0x1;
	v4 =	vadd.s32 $0x1F, v7;
	v0 =	vunpack.c.0.s8.s32 v0;
	s8 =	sadd.s32 $0x50, s5;
	s9 =	sadd.s32 $0x30, s5;
	s10 =	sadd.s32 $0x40, s5  }
0xd: {  	v5 =	vor.u32 $0x20, v7;
	v1 =	vand.u32 $0xF, v1;
	v2 =	vcombine.low v3, v2;
	s11 =	sadd.s32 $0x60, s5;
	s12 =	sadd.s32 $0x70, s5;
	s13 =	sadd.s32 $0x4000, s5  }
0xe: {  	v6 =	vadd.s32 $0x2F, v7;
	v3 =	vor.u32 $0x10, v7;
	s14 =	sadd.s32 $0x4010, s5;
	s15 =	sadd.s32 $0x4020, s5;
	s16 =	sadd.s32 $0x4030, s5;
	v0 =	vcombine.low v0, v1  }
0xf: {  	s17 =	sadd.s32 $0x4040, s5;
	s18 =	sadd.s32 $0x4050, s5;
	[dreg:$0x4] =	wrdreg s0;
	v1 =	vand.u32 $0xF, v2;
	v2 =	vadd.s32 $0xF, v7;
	v7 =	vor.u32 $0x30, v7  }
.LBB2_1:
0x10: {  	s0 =	rddreg [dreg:$0x3]  }
0x11: {  	[tilespmem:s2], [sflag:$0x1] =	stream.linear.gather [hbm4b:s0+s2], $0x80, $0x38;
	[tilespmem:$0x2200] =	vst v63  }
0x12: {  	_ =	swait.ge [sflag:s20], $0x80  }
0x13: {  	[sflag:s20] =	ssyncset.done $0x0  }
0x14: {  	s4 =	rddreg [dreg:$0x4];
	[sflag:s20] =	ssyncadd.s32 $0xFFFFFF80  }
0x15: {  	[tilespmem:s21], [sflag:$0x1] =	stream.linear.gather [hbm4b:s4+s2], $0x200, $0x38;
	[tilespmem:$0x2200] =	vst v63  }
0x16: {  	_ =	swait.ge [sflag:s20], $0x200  }
0x17: {  	[sflag:s20] =	ssyncset.done $0x0  }
0x18: {  	[sflag:s20] =	ssyncadd.s32 $0xFFFFFE00  }
0x19: {  	v8 =	vld.idx.msk [tilespmem:v0+s2+$0x0], $0xffff;
	_ =	sdelay $0x4  }
0x1a: {  	(erf) = vrcp.f32 v8;
	_ =	sdelay $0x4  }
0x1b: {  	v9 =	vld [tilespmem:$0x0];
	_ =	sdelay $0x3  }
0x1c: {  	v10 =	vld.idx.msk [tilespmem:v1+s2+$0x0], $0xffff;
	v11 =	vpop (erf)  }
0x1d: {  	v12 =	vmul.f32 v11, v9;
	_ =	sdelay $0x1  }
0x1e: {  	v12 =	vsel vm0, v9, v12  }
0x1f: {  	v13 =	vshra.s32 v12, $0x1;
	v14 =	vmul.f32 $5.000000000e-01, v12  }
0x20: {  	v15 =	vsub.f32 $1.000000000e+00, v10;
	v13 =	vsub.s32 $0x5F3759DF, v13  }
0x21: {  	v16 =	vmul.f32 v13, v14  }
0x22: {  	v17 =	vsub.f32 $1.000000000e+00, v9;
	(erf) = vrcp.f32 v15  }
0x23: {  	v15 =	vmul.f32 v13, v16  }
0x24: {  	v18 =	vmul.f32 $5.000000000e-01, v17;
	v16 =	vshra.s32 v17, $0x1  }
0x25: {  	v10 =	vmul.f32 v11, v10;
	v11 =	vsub.f32 $1.500000000e+00, v15;
	v15 =	vsub.s32 $0x5F3759DF, v16  }
0x26: {  	v19 =	vshra.s32 v9, $0x1;
	v20 =	vmul.f32 $5.000000000e-01, v9;
	v16 =	vmul.f32 v15, v18  }
0x27: {  	v8 =	vsub.f32 $1.000000000e+00, v8;
	v11 =	vmul.f32 v13, v11;
	v13 =	vsub.s32 $0x5F3759DF, v19  }
0x28: {  	v10 =	vsub.f32 $1.000000000e+00, v10;
	v16 =	vmul.f32 v15, v16;
	v19 =	vmul.f32 v13, v20  }
0x29: {  	v21 =	vmul.f32 v11, v14  }
0x2a: {  	v8 =	vmul.f32 v10, v8;
	v10 =	vsub.f32 $1.500000000e+00, v16;
	v16 =	vmul.f32 v13, v19  }
0x2b: {  	v22 =	vpop (erf);
	v19 =	vsub.f32 $1.000000000e+00, v12;
	v21 =	vmul.f32 v21, v11  }
0x2c: {  	v8 =	vmul.f32 v8, v22;
	v10 =	vmul.f32 v15, v10;
	v15 =	vsub.f32 $1.500000000e+00, v16  }
0x2d: {  	v22 =	vmul.f32 $5.000000000e-01, v19;
	v16 =	vsub.f32 $1.500000000e+00, v21;
	v21 =	vshra.s32 v19, $0x1  }
0x2e: {  	v23 =	vmul.f32 v10, v18;
	v13 =	vmul.f32 v13, v15;
	v15 =	vsub.s32 $0x5F3759DF, v21  }
0x2f: {  	v11 =	vmul.f32 v16, v11;
	v16 =	vmul.f32 v15, v22  }
0x30: {  	v25 =	vmul.f32 $5.000000000e-01, v8;
	v21 =	vmul.f32 v23, v10  }
0x31: {  	v24 =	vshra.s32 v8, $0x1;
	v23 =	vmul.f32 v13, v20;
	v16 =	vmul.f32 v15, v16  }
0x32: {  	v24 =	vsub.s32 $0x5F3759DF, v24;
	v21 =	vsub.f32 $1.500000000e+00, v21  }
0x33: {  	v26 =	vmul.f32 v24, v25;
	v23 =	vmul.f32 v23, v13;
	v16 =	vsub.f32 $1.500000000e+00, v16  }
0x34: {  	v10 =	vmul.f32 v21, v10  }
0x35: {  	v21 =	vsub.f32 $1.500000000e+00, v23;
	v15 =	vmul.f32 v15, v16;
	v16 =	vmul.f32 v24, v26  }
0x36: {  	v14 =	vmul.f32 v11, v14;
	v18 =	vmul.f32 v10, v18  }
0x37: {  	v13 =	vmul.f32 v21, v13;
	v16 =	vsub.f32 $1.500000000e+00, v16  }
0x38: {  	v14 =	vmul.f32 v14, v11;
	v18 =	vmul.f32 v18, v10  }
0x39: {  	v20 =	vmul.f32 v13, v20;
	v16 =	vmul.f32 v24, v16  }
0x3a: {  	v14 =	vsub.f32 $1.500000000e+00, v14;
	v21 =	vmul.f32 v15, v22  }
0x3b: {  	v18 =	vsub.f32 $1.500000000e+00, v18;
	v20 =	vmul.f32 v20, v13;
	v23 =	vmul.f32 v16, v25  }
0x3c: {  	v11 =	vmul.f32 v14, v11;
	v21 =	vmul.f32 v21, v15  }
0x3d: {  	v10 =	vmul.f32 v18, v10;
	v14 =	vsub.f32 $1.500000000e+00, v20;
	v18 =	vmul.f32 v23, v16  }
0x3e: {  	v11 =	vmul.f32 v11, v12;
	v21 =	vsub.f32 $1.500000000e+00, v21  }
0x3f: {  	v13 =	vmul.f32 v14, v13;
	v14 =	vadd.f32 v8, v8;
	v18 =	vsub.f32 $1.500000000e+00, v18  }
0x40: {  	(erf) = vrcp.f32 v11;
	v15 =	vmul.f32 v21, v15  }
0x41: {  	v14 =	vmul.f32 v14, v12;
	v16 =	vmul.f32 v18, v16  }
0x42: {  	v10 =	vmul.f32 v10, v17;
	v20 =	vmul.f32 v15, v22  }
0x43: {  	v14 =	vmul.f32 v14, v17;
	v18 =	vmul.f32 v16, v25  }
0x44: {  	(erf) = vrcp.f32 v10;
	v20 =	vmul.f32 v20, v15  }
0x45: {  	[tilespmem:$0x280] =	vst v9;
	(erf) = vrcp.f32 v14;
	v14 =	vmul.f32 v18, v16  }
0x46: {  	[tilespmem:$0x2C0] =	vst v17  }
0x47: {  	v13 =	vmul.f32 v13, v9;
	[tilespmem:$0x340] =	vst v10;
	v9 =	vsub.f32 $1.500000000e+00, v20;
	v10 =	vsub.f32 $1.500000000e+00, v14  }
0x48: {  	[tilespmem:$0x380] =	vst v12  }
0x49: {  	[tilespmem:$0x4C0] =	vst v8;
	v9 =	vmul.f32 v9, v15;
	v10 =	vmul.f32 v10, v16  }
0x4a: {  	[tilespmem:$0x3C0] =	vst v19  }
0x4b: {  	[tilespmem:$0x400] =	vst v11;
	v9 =	vmul.f32 v9, v19  }
0x4c: {  	v12 =	vmul.f32 v19, v19;
	[tilespmem:$0x300] =	vst v13  }
0x4d: {  	[tilespmem:$0x440] =	vst v9;
	v9 =	vmul.f32 v10, v8;
	v10 =	vpop (erf)  }
0x4e: {  	[tilespmem:$0x480] =	vst v12;
	v11 =	vpop (erf)  }
0x4f: {  	[tilespmem:$0x500] =	vst v9;
	v8 =	vpop (erf)  }
0x50: {  	[tilespmem:$0x540] =	vst v10;
	v8 =	vmul.f32 v8, v12  }
0x51: {  	[tilespmem:$0x580] =	vst v11  }
0x52: {  	[tilespmem:$0x5C0] =	vst v8  }
0x53: {  	v8 =	vld.idx.msk [tilespmem:v2+s2+$0x0], $0xffff;
	_ =	sdelay $0x4  }
0x54: {  	(erf) = vrcp.f32 v8;
	_ =	sdelay $0x4  }
0x55: {  	v9 =	vld [tilespmem:$0x10];
	_ =	sdelay $0x2  }
0x56: {  	v10 =	vld.idx.msk [tilespmem:v3+s2+$0x0], $0xffff  }
0x57: {  	v11 =	vpop (erf)  }
0x58: {  	v12 =	vmul.f32 v11, v9;
	_ =	sdelay $0x1  }
0x59: {  	v13 =	vshra.s32 v12, $0x1;
	v14 =	vmul.f32 $5.000000000e-01, v12  }
0x5a: {  	v15 =	vsub.f32 $1.000000000e+00, v10;
	v13 =	vsub.s32 $0x5F3759DF, v13  }
0x5b: {  	v16 =	vmul.f32 v13, v14  }
0x5c: {  	v17 =	vsub.f32 $1.000000000e+00, v9;
	(erf) = vrcp.f32 v15  }
0x5d: {  	v15 =	vmul.f32 v13, v16  }
0x5e: {  	v18 =	vmul.f32 $5.000000000e-01, v17;
	v16 =	vshra.s32 v17, $0x1  }
0x5f: {  	v10 =	vmul.f32 v11, v10;
	v11 =	vsub.f32 $1.500000000e+00, v15;
	v15 =	vsub.s32 $0x5F3759DF, v16  }
0x60: {  	v19 =	vshra.s32 v9, $0x1;
	v20 =	vmul.f32 $5.000000000e-01, v9;
	v16 =	vmul.f32 v15, v18  }
0x61: {  	v8 =	vsub.f32 $1.000000000e+00, v8;
	v11 =	vmul.f32 v13, v11;
	v13 =	vsub.s32 $0x5F3759DF, v19  }
0x62: {  	v10 =	vsub.f32 $1.000000000e+00, v10;
	v16 =	vmul.f32 v15, v16;
	v19 =	vmul.f32 v13, v20  }
0x63: {  	v21 =	vmul.f32 v11, v14  }
0x64: {  	v8 =	vmul.f32 v10, v8;
	v10 =	vsub.f32 $1.500000000e+00, v16;
	v16 =	vmul.f32 v13, v19  }
0x65: {  	v22 =	vpop (erf);
	v19 =	vsub.f32 $1.000000000e+00, v12;
	v21 =	vmul.f32 v21, v11  }
0x66: {  	v8 =	vmul.f32 v8, v22;
	v10 =	vmul.f32 v15, v10;
	v15 =	vsub.f32 $1.500000000e+00, v16  }
0x67: {  	v22 =	vmul.f32 $5.000000000e-01, v19;
	v16 =	vsub.f32 $1.500000000e+00, v21;
	v21 =	vshra.s32 v19, $0x1  }
0x68: {  	v23 =	vmul.f32 v10, v18;
	v13 =	vmul.f32 v13, v15;
	v15 =	vsub.s32 $0x5F3759DF, v21  }
0x69: {  	v11 =	vmul.f32 v16, v11;
	v16 =	vmul.f32 v15, v22  }
0x6a: {  	v25 =	vmul.f32 $5.000000000e-01, v8;
	v21 =	vmul.f32 v23, v10  }
0x6b: {  	v24 =	vshra.s32 v8, $0x1;
	v23 =	vmul.f32 v13, v20;
	v16 =	vmul.f32 v15, v16  }
0x6c: {  	v24 =	vsub.s32 $0x5F3759DF, v24;
	v21 =	vsub.f32 $1.500000000e+00, v21  }
0x6d: {  	v26 =	vmul.f32 v24, v25;
	v23 =	vmul.f32 v23, v13;
	v16 =	vsub.f32 $1.500000000e+00, v16  }
0x6e: {  	v10 =	vmul.f32 v21, v10  }
0x6f: {  	v21 =	vsub.f32 $1.500000000e+00, v23;
	v15 =	vmul.f32 v15, v16;
	v16 =	vmul.f32 v24, v26  }
0x70: {  	v14 =	vmul.f32 v11, v14;
	v18 =	vmul.f32 v10, v18  }
0x71: {  	v13 =	vmul.f32 v21, v13;
	v16 =	vsub.f32 $1.500000000e+00, v16  }
0x72: {  	v14 =	vmul.f32 v14, v11;
	v18 =	vmul.f32 v18, v10  }
0x73: {  	v20 =	vmul.f32 v13, v20;
	v16 =	vmul.f32 v24, v16  }
0x74: {  	v14 =	vsub.f32 $1.500000000e+00, v14;
	v21 =	vmul.f32 v15, v22  }
0x75: {  	v18 =	vsub.f32 $1.500000000e+00, v18;
	v20 =	vmul.f32 v20, v13;
	v23 =	vmul.f32 v16, v25  }
0x76: {  	v11 =	vmul.f32 v14, v11;
	v21 =	vmul.f32 v21, v15  }
0x77: {  	v10 =	vmul.f32 v18, v10;
	v14 =	vsub.f32 $1.500000000e+00, v20;
	v18 =	vmul.f32 v23, v16  }
0x78: {  	v11 =	vmul.f32 v11, v12;
	v21 =	vsub.f32 $1.500000000e+00, v21  }
0x79: {  	v13 =	vmul.f32 v14, v13;
	v14 =	vadd.f32 v8, v8;
	v18 =	vsub.f32 $1.500000000e+00, v18  }
0x7a: {  	(erf) = vrcp.f32 v11;
	v15 =	vmul.f32 v21, v15  }
0x7b: {  	v14 =	vmul.f32 v14, v12;
	v16 =	vmul.f32 v18, v16  }
0x7c: {  	v10 =	vmul.f32 v10, v17;
	v20 =	vmul.f32 v15, v22  }
0x7d: {  	v14 =	vmul.f32 v14, v17;
	v18 =	vmul.f32 v16, v25  }
0x7e: {  	(erf) = vrcp.f32 v10;
	v20 =	vmul.f32 v20, v15  }
0x7f: {  	[tilespmem:$0x290] =	vst v9;
	(erf) = vrcp.f32 v14;
	v14 =	vmul.f32 v18, v16  }
0x80: {  	[tilespmem:$0x2D0] =	vst v17  }
0x81: {  	v13 =	vmul.f32 v13, v9;
	[tilespmem:$0x350] =	vst v10;
	v9 =	vsub.f32 $1.500000000e+00, v20;
	v10 =	vsub.f32 $1.500000000e+00, v14  }
0x82: {  	[tilespmem:$0x390] =	vst v12  }
0x83: {  	[tilespmem:$0x4D0] =	vst v8;
	v9 =	vmul.f32 v9, v15;
	v10 =	vmul.f32 v10, v16  }
0x84: {  	[tilespmem:$0x3D0] =	vst v19  }
0x85: {  	[tilespmem:$0x410] =	vst v11;
	v9 =	vmul.f32 v9, v19  }
0x86: {  	v12 =	vmul.f32 v19, v19;
	[tilespmem:$0x310] =	vst v13  }
0x87: {  	[tilespmem:$0x450] =	vst v9;
	v9 =	vmul.f32 v10, v8;
	v10 =	vpop (erf)  }
0x88: {  	[tilespmem:$0x490] =	vst v12;
	v11 =	vpop (erf)  }
0x89: {  	[tilespmem:$0x510] =	vst v9;
	v8 =	vpop (erf)  }
0x8a: {  	[tilespmem:$0x550] =	vst v10;
	v8 =	vmul.f32 v8, v12  }
0x8b: {  	[tilespmem:$0x590] =	vst v11  }
0x8c: {  	[tilespmem:$0x5D0] =	vst v8  }
0x8d: {  	v8 =	vld.idx.msk [tilespmem:v4+s2+$0x0], $0xffff;
	_ =	sdelay $0x4  }
0x8e: {  	(erf) = vrcp.f32 v8;
	_ =	sdelay $0x4  }
0x8f: {  	v9 =	vld [tilespmem:$0x20];
	_ =	sdelay $0x2  }
0x90: {  	v10 =	vld.idx.msk [tilespmem:v5+s2+$0x0], $0xffff  }
0x91: {  	v11 =	vpop (erf)  }
0x92: {  	v12 =	vmul.f32 v11, v9;
	_ =	sdelay $0x1  }
0x93: {  	v13 =	vshra.s32 v12, $0x1;
	v14 =	vmul.f32 $5.000000000e-01, v12  }
0x94: {  	v15 =	vsub.f32 $1.000000000e+00, v10;
	v13 =	vsub.s32 $0x5F3759DF, v13  }
0x95: {  	v16 =	vmul.f32 v13, v14  }
0x96: {  	v17 =	vsub.f32 $1.000000000e+00, v9;
	(erf) = vrcp.f32 v15  }
0x97: {  	v15 =	vmul.f32 v13, v16  }
0x98: {  	v18 =	vmul.f32 $5.000000000e-01, v17;
	v16 =	vshra.s32 v17, $0x1  }
0x99: {  	v10 =	vmul.f32 v11, v10;
	v11 =	vsub.f32 $1.500000000e+00, v15;
	v15 =	vsub.s32 $0x5F3759DF, v16  }
0x9a: {  	v19 =	vshra.s32 v9, $0x1;
	v20 =	vmul.f32 $5.000000000e-01, v9;
	v16 =	vmul.f32 v15, v18  }
0x9b: {  	v8 =	vsub.f32 $1.000000000e+00, v8;
	v11 =	vmul.f32 v13, v11;
	v13 =	vsub.s32 $0x5F3759DF, v19  }
0x9c: {  	v10 =	vsub.f32 $1.000000000e+00, v10;
	v16 =	vmul.f32 v15, v16;
	v19 =	vmul.f32 v13, v20  }
0x9d: {  	v21 =	vmul.f32 v11, v14  }
0x9e: {  	v8 =	vmul.f32 v10, v8;
	v10 =	vsub.f32 $1.500000000e+00, v16;
	v16 =	vmul.f32 v13, v19  }
0x9f: {  	v22 =	vpop (erf);
	v19 =	vsub.f32 $1.000000000e+00, v12;
	v21 =	vmul.f32 v21, v11  }
0xa0: {  	v8 =	vmul.f32 v8, v22;
	v10 =	vmul.f32 v15, v10;
	v15 =	vsub.f32 $1.500000000e+00, v16  }
0xa1: {  	v22 =	vmul.f32 $5.000000000e-01, v19;
	v16 =	vsub.f32 $1.500000000e+00, v21;
	v21 =	vshra.s32 v19, $0x1  }
0xa2: {  	v23 =	vmul.f32 v10, v18;
	v13 =	vmul.f32 v13, v15;
	v15 =	vsub.s32 $0x5F3759DF, v21  }
0xa3: {  	v11 =	vmul.f32 v16, v11;
	v16 =	vmul.f32 v15, v22  }
0xa4: {  	v25 =	vmul.f32 $5.000000000e-01, v8;
	v21 =	vmul.f32 v23, v10  }
0xa5: {  	v24 =	vshra.s32 v8, $0x1;
	v23 =	vmul.f32 v13, v20;
	v16 =	vmul.f32 v15, v16  }
0xa6: {  	v24 =	vsub.s32 $0x5F3759DF, v24;
	v21 =	vsub.f32 $1.500000000e+00, v21  }
0xa7: {  	v26 =	vmul.f32 v24, v25;
	v23 =	vmul.f32 v23, v13;
	v16 =	vsub.f32 $1.500000000e+00, v16  }
0xa8: {  	v10 =	vmul.f32 v21, v10  }
0xa9: {  	v21 =	vsub.f32 $1.500000000e+00, v23;
	v15 =	vmul.f32 v15, v16;
	v16 =	vmul.f32 v24, v26  }
0xaa: {  	v14 =	vmul.f32 v11, v14;
	v18 =	vmul.f32 v10, v18  }
0xab: {  	v13 =	vmul.f32 v21, v13;
	v16 =	vsub.f32 $1.500000000e+00, v16  }
0xac: {  	v14 =	vmul.f32 v14, v11;
	v18 =	vmul.f32 v18, v10  }
0xad: {  	v20 =	vmul.f32 v13, v20;
	v16 =	vmul.f32 v24, v16  }
0xae: {  	v14 =	vsub.f32 $1.500000000e+00, v14;
	v21 =	vmul.f32 v15, v22  }
0xaf: {  	v18 =	vsub.f32 $1.500000000e+00, v18;
	v20 =	vmul.f32 v20, v13;
	v23 =	vmul.f32 v16, v25  }
0xb0: {  	v11 =	vmul.f32 v14, v11;
	v21 =	vmul.f32 v21, v15  }
0xb1: {  	v10 =	vmul.f32 v18, v10;
	v14 =	vsub.f32 $1.500000000e+00, v20;
	v18 =	vmul.f32 v23, v16  }
0xb2: {  	v11 =	vmul.f32 v11, v12;
	v21 =	vsub.f32 $1.500000000e+00, v21  }
0xb3: {  	v13 =	vmul.f32 v14, v13;
	v14 =	vadd.f32 v8, v8;
	v18 =	vsub.f32 $1.500000000e+00, v18  }
0xb4: {  	(erf) = vrcp.f32 v11;
	v15 =	vmul.f32 v21, v15  }
0xb5: {  	v14 =	vmul.f32 v14, v12;
	v16 =	vmul.f32 v18, v16  }
0xb6: {  	v10 =	vmul.f32 v10, v17;
	v20 =	vmul.f32 v15, v22  }
0xb7: {  	v14 =	vmul.f32 v14, v17;
	v18 =	vmul.f32 v16, v25  }
0xb8: {  	(erf) = vrcp.f32 v10;
	v20 =	vmul.f32 v20, v15  }
0xb9: {  	[tilespmem:$0x2A0] =	vst v9;
	(erf) = vrcp.f32 v14;
	v14 =	vmul.f32 v18, v16  }
0xba: {  	[tilespmem:$0x2E0] =	vst v17  }
0xbb: {  	v13 =	vmul.f32 v13, v9;
	[tilespmem:$0x360] =	vst v10;
	v9 =	vsub.f32 $1.500000000e+00, v20;
	v10 =	vsub.f32 $1.500000000e+00, v14  }
0xbc: {  	[tilespmem:$0x3A0] =	vst v12  }
0xbd: {  	[tilespmem:$0x4E0] =	vst v8;
	v9 =	vmul.f32 v9, v15;
	v10 =	vmul.f32 v10, v16  }
0xbe: {  	[tilespmem:$0x3E0] =	vst v19  }
0xbf: {  	[tilespmem:$0x420] =	vst v11;
	v9 =	vmul.f32 v9, v19  }
0xc0: {  	v12 =	vmul.f32 v19, v19;
	[tilespmem:$0x320] =	vst v13  }
0xc1: {  	[tilespmem:$0x460] =	vst v9;
	v9 =	vmul.f32 v10, v8;
	v10 =	vpop (erf)  }
0xc2: {  	[tilespmem:$0x4A0] =	vst v12;
	v11 =	vpop (erf)  }
0xc3: {  	[tilespmem:$0x520] =	vst v9;
	v8 =	vpop (erf)  }
0xc4: {  	[tilespmem:$0x560] =	vst v10;
	v8 =	vmul.f32 v8, v12  }
0xc5: {  	[tilespmem:$0x5A0] =	vst v11  }
0xc6: {  	[tilespmem:$0x5E0] =	vst v8  }
0xc7: {  	v8 =	vld.idx.msk [tilespmem:v6+s2+$0x0], $0xffff;
	_ =	sdelay $0x4  }
0xc8: {  	(erf) = vrcp.f32 v8;
	_ =	sdelay $0x4  }
0xc9: {  	v9 =	vld [tilespmem:$0x30];
	_ =	sdelay $0x2  }
0xca: {  	v10 =	vld.idx.msk [tilespmem:v7+s2+$0x0], $0xffff  }
0xcb: {  	v11 =	vpop (erf)  }
0xcc: {  	v12 =	vmul.f32 v11, v9;
	_ =	sdelay $0x1  }
0xcd: {  	v13 =	vshra.s32 v12, $0x1;
	v14 =	vmul.f32 $5.000000000e-01, v12  }
0xce: {  	v15 =	vsub.f32 $1.000000000e+00, v10;
	v13 =	vsub.s32 $0x5F3759DF, v13  }
0xcf: {  	v16 =	vmul.f32 v13, v14  }
0xd0: {  	v17 =	vsub.f32 $1.000000000e+00, v9;
	(erf) = vrcp.f32 v15  }
0xd1: {  	v15 =	vmul.f32 v13, v16  }
0xd2: {  	v18 =	vmul.f32 $5.000000000e-01, v17;
	v16 =	vshra.s32 v17, $0x1  }
0xd3: {  	v10 =	vmul.f32 v11, v10;
	v11 =	vsub.f32 $1.500000000e+00, v15;
	v15 =	vsub.s32 $0x5F3759DF, v16  }
0xd4: {  	v19 =	vshra.s32 v9, $0x1;
	v20 =	vmul.f32 $5.000000000e-01, v9;
	v16 =	vmul.f32 v15, v18  }
0xd5: {  	v8 =	vsub.f32 $1.000000000e+00, v8;
	v11 =	vmul.f32 v13, v11;
	v13 =	vsub.s32 $0x5F3759DF, v19  }
0xd6: {  	v10 =	vsub.f32 $1.000000000e+00, v10;
	v16 =	vmul.f32 v15, v16;
	v19 =	vmul.f32 v13, v20  }
0xd7: {  	v21 =	vmul.f32 v11, v14  }
0xd8: {  	v8 =	vmul.f32 v10, v8;
	v10 =	vsub.f32 $1.500000000e+00, v16;
	v16 =	vmul.f32 v13, v19  }
0xd9: {  	v22 =	vpop (erf);
	v19 =	vsub.f32 $1.000000000e+00, v12;
	v21 =	vmul.f32 v21, v11  }
0xda: {  	v8 =	vmul.f32 v8, v22;
	v10 =	vmul.f32 v15, v10;
	v15 =	vsub.f32 $1.500000000e+00, v16  }
0xdb: {  	v22 =	vmul.f32 $5.000000000e-01, v19;
	v16 =	vsub.f32 $1.500000000e+00, v21;
	v21 =	vshra.s32 v19, $0x1  }
0xdc: {  	v23 =	vmul.f32 v10, v18;
	v13 =	vmul.f32 v13, v15;
	v15 =	vsub.s32 $0x5F3759DF, v21  }
0xdd: {  	v11 =	vmul.f32 v16, v11;
	v16 =	vmul.f32 v15, v22  }
0xde: {  	v24 =	vshra.s32 v8, $0x1;
	v21 =	vmul.f32 v23, v10;
	v23 =	vmul.f32 v13, v20  }
0xdf: {  	v25 =	vmul.f32 $5.000000000e-01, v8;
	v24 =	vsub.s32 $0x5F3759DF, v24;
	v16 =	vmul.f32 v15, v16  }
0xe0: {  	v14 =	vmul.f32 v11, v14;
	v21 =	vsub.f32 $1.500000000e+00, v21;
	v23 =	vmul.f32 v23, v13  }
0xe1: {  	v26 =	vmul.f32 v24, v25;
	v16 =	vsub.f32 $1.500000000e+00, v16  }
0xe2: {  	v14 =	vmul.f32 v14, v11;
	v10 =	vmul.f32 v21, v10;
	v21 =	vsub.f32 $1.500000000e+00, v23  }
0xe3: {  	v15 =	vmul.f32 v15, v16  }
0xe4: {  	v16 =	vmul.f32 v24, v26;
	v14 =	vsub.f32 $1.500000000e+00, v14;
	v13 =	vmul.f32 v21, v13  }
0xe5: {  	v18 =	vmul.f32 v10, v18;
	v21 =	vmul.f32 v15, v22  }
0xe6: {  	v16 =	vsub.f32 $1.500000000e+00, v16;
	v11 =	vmul.f32 v14, v11;
	v20 =	vmul.f32 v13, v20  }
0xe7: {  	v18 =	vmul.f32 v18, v10;
	v21 =	vmul.f32 v21, v15  }
0xe8: {  	v16 =	vmul.f32 v24, v16;
	v20 =	vmul.f32 v20, v13  }
0xe9: {  	v18 =	vsub.f32 $1.500000000e+00, v18;
	v21 =	vsub.f32 $1.500000000e+00, v21  }
0xea: {  	v11 =	vmul.f32 v11, v12;
	v23 =	vmul.f32 v16, v25;
	v14 =	vsub.f32 $1.500000000e+00, v20  }
0xeb: {  	v10 =	vmul.f32 v18, v10;
	v15 =	vmul.f32 v21, v15  }
0xec: {  	v18 =	vmul.f32 v23, v16;
	v13 =	vmul.f32 v14, v13;
	v14 =	vadd.f32 v8, v8  }
0xed: {  	v20 =	vmul.f32 v15, v22  }
0xee: {  	(erf) = vrcp.f32 v11;
	v18 =	vsub.f32 $1.500000000e+00, v18;
	v14 =	vmul.f32 v14, v12  }
0xef: {  	v10 =	vmul.f32 v10, v17;
	v20 =	vmul.f32 v20, v15  }
0xf0: {  	v16 =	vmul.f32 v18, v16;
	v14 =	vmul.f32 v14, v17  }
0xf1: {  	[tilespmem:$0x2B0] =	vst v9;
	v13 =	vmul.f32 v13, v9;
	(erf) = vrcp.f32 v10;
	v9 =	vsub.f32 $1.500000000e+00, v20  }
0xf2: {  	[tilespmem:$0x2F0] =	vst v17;
	v18 =	vmul.f32 v16, v25;
	(erf) = vrcp.f32 v14  }
0xf3: {  	[tilespmem:$0x3B0] =	vst v12;
	v9 =	vmul.f32 v9, v15  }
0xf4: {  	[tilespmem:$0x4F0] =	vst v8;
	v14 =	vmul.f32 v18, v16  }
0xf5: {  	[tilespmem:$0x3F0] =	vst v19;
	v9 =	vmul.f32 v9, v19  }
0xf6: {  	[tilespmem:$0x370] =	vst v10;
	v10 =	vsub.f32 $1.500000000e+00, v14  }
0xf7: {  	[tilespmem:$0x430] =	vst v11  }
0xf8: {  	v12 =	vmul.f32 v19, v19;
	[tilespmem:$0x330] =	vst v13;
	v10 =	vmul.f32 v10, v16  }
0xf9: {  	[tilespmem:$0x470] =	vst v9;
	v9 =	vpop (erf)  }
0xfa: {  	[tilespmem:$0x4B0] =	vst v12;
	v10 =	vmul.f32 v10, v8;
	v11 =	vpop (erf)  }
0xfb: {  	[tilespmem:$0x570] =	vst v9;
	v8 =	vpop (erf)  }
0xfc: {  	[tilespmem:$0x530] =	vst v10;
	v8 =	vmul.f32 v8, v12  }
0xfd: {  	[tilespmem:$0x5B0] =	vst v11  }
0xfe: {  	s24 =	simm.s32 $0x90;
	[tilespmem:$0x5F0] =	vst v8  }
0xff: {  	v8 =	vld [tilespmem:s24+$0x0];
	_ =	sdelay $0x3  }
0x100: {  	v11 =	vld [tilespmem:s24+$0xFFFFFFF0];
	_ =	sdelay $0x3  }
0x101: {  	v9 =	vld.idx.msk [tilespmem:v8+s22+$0x0], $0xffff  }
0x102: {  	v10 =	vadd.s32 $0x40, v8;
	_ =	sdelay $0x2  }
0x103: {  	s31 =	simm.s32 $0x1410;
	v12 =	vld.idx.msk [tilespmem:v11+s22+$0x0], $0xffff  }
0x104: {  	v13 =	vadd.s32 $0x40, v11;
	[tilespmem:s31+$0xFFFFF200] =	vst v9  }
0x105: {  	v9 =	vld.idx.msk [tilespmem:v10+s22+$0x0], $0xffff  }
0x106: {  	v10 =	vadd.s32 $0x80, v8;
	_ =	sdelay $0x1  }
0x107: {  	[tilespmem:s31+$0xFFFFF1F0] =	vst v12  }
0x108: {  	v12 =	vld.idx.msk [tilespmem:v13+s22+$0x0], $0xffff  }
0x109: {  	v13 =	vadd.s32 $0x80, v11;
	[tilespmem:s31+$0xFFFFF400] =	vst v9  }
0x10a: {  	v9 =	vld.idx.msk [tilespmem:v10+s22+$0x0], $0xffff  }
0x10b: {  	s25 =	simm.s32 $0x0;
	v10 =	vadd.s32 $0xC0, v8  }
0x10c: {  	s0 =	sand.u32 $0x1E0, s25  }
0x10d: {  	[tilespmem:s0+$0x800] =	vst v12  }
0x10e: {  	s1 =	simm.s32 $0xB0;
	v12 =	vld.idx.msk [tilespmem:v13+s22+$0x0], $0xffff  }
0x10f: {  	v13 =	vadd.s32 $0xC0, v11;
	[tilespmem:s31+$0xFFFFF600] =	vst v9;
	v9 =	vld [tilespmem:s1+$0x0]  }
0x110: {  	v10 =	vld.idx.msk [tilespmem:v10+s22+$0x0], $0xffff  }
0x111: {  	v16 =	vld [tilespmem:s1+$0xFFFFFFF0];
	v14 =	vadd.s32 $0x100, v8;
	_ =	sdelay $0x1  }
0x112: {  	[tilespmem:s0+$0xA00] =	vst v12  }
0x113: {  	v12 =	vld.idx.msk [tilespmem:v13+s22+$0x0], $0xffff  }
0x114: {  	[tilespmem:s31+$0xFFFFF800] =	vst v10  }
0x115: {  	v10 =	vadd.s32 $0x100, v11;
	v13 =	vld.idx.msk [tilespmem:v14+s22+$0x0], $0xffff  }
0x116: {  	v15 =	vadd.s32 $0x140, v8;
	v14 =	vld.idx.msk [tilespmem:v9+s22+$0x0], $0xffff  }
0x117: {  	v17 =	vadd.s32 $0x40, v9  }
0x118: {  	[tilespmem:s0+$0xC00] =	vst v12;
	v12 =	vld.idx.msk [tilespmem:v16+s22+$0x0], $0xffff  }
0x119: {  	v18 =	vadd.s32 $0x40, v16  }
0x11a: {  	s1 =	simm.s32 $0x1430;
	v10 =	vld.idx.msk [tilespmem:v10+s22+$0x0], $0xffff;
	[tilespmem:s31+$0xFFFFFA00] =	vst v13  }
0x11b: {  	v13 =	vadd.s32 $0x140, v11;
	v15 =	vld.idx.msk [tilespmem:v15+s22+$0x0], $0xffff;
	[tilespmem:s1+$0xFFFFF200] =	vst v14  }
0x11c: {  	v14 =	vld.idx.msk [tilespmem:v17+s22+$0x0], $0xffff;
	v17 =	vadd.s32 $0x180, v8  }
0x11d: {  	v19 =	vadd.s32 $0x80, v9;
	[tilespmem:s1+$0xFFFFF1F0] =	vst v12  }
0x11e: {  	v12 =	vld.idx.msk [tilespmem:v18+s22+$0x0], $0xffff  }
0x11f: {  	[tilespmem:s0+$0xE00] =	vst v10;
	v10 =	vadd.s32 $0x80, v16  }
0x120: {  	v13 =	vld.idx.msk [tilespmem:v13+s22+$0x0], $0xffff;
	[tilespmem:s31+$0xFFFFFC00] =	vst v15  }
0x121: {  	s3 =	simm.s32 $0x20;
	v15 =	vadd.s32 $0x180, v11;
	v17 =	vld.idx.msk [tilespmem:v17+s22+$0x0], $0xffff;
	[tilespmem:s1+$0xFFFFF400] =	vst v14  }
0x122: {  	s24 =	sand.u32 $0x1E0, s3;
	v18 =	vadd.s32 $0x1C0, v8;
	v14 =	vld.idx.msk [tilespmem:v19+s22+$0x0], $0xffff  }
0x123: {  	[tilespmem:s24+$0x800] =	vst v12;
	v19 =	vadd.s32 $0xC0, v9  }
0x124: {  	s26 =	simm.s32 $0xD0;
	v12 =	vld.idx.msk [tilespmem:v10+s22+$0x0], $0xffff  }
0x125: {  	v10 =	vld [tilespmem:s26+$0x0];
	[tilespmem:s0+$0x1000] =	vst v13  }
0x126: {  	v13 =	vld.idx.msk [tilespmem:v15+s22+$0x0], $0xffff;
	[tilespmem:s31+$0xFFFFFE00] =	vst v17  }
0x127: {  	v15 =	vld.idx.msk [tilespmem:v18+s22+$0x0], $0xffff;
	[tilespmem:s1+$0xFFFFF600] =	vst v14;
	v18 =	vadd.s32 $0xC0, v16  }
0x128: {  	v17 =	vadd.s32 $0x200, v8;
	v14 =	vld.idx.msk [tilespmem:v19+s22+$0x0], $0xffff  }
0x129: {  	v33 =	vld [tilespmem:s26+$0xFFFFFFF0];
	v19 =	vadd.s32 $0x100, v9  }
0x12a: {  	v20 =	vadd.s32 $0x1C0, v11  }
0x12b: {  	[tilespmem:s24+$0xA00] =	vst v12  }
0x12c: {  	[tilespmem:s31+$0x0] =	vst v15;
	v15 =	vld.idx.msk [tilespmem:v18+s22+$0x0], $0xffff  }
0x12d: {  	v12 =	vld.idx.msk [tilespmem:v17+s22+$0x0], $0xffff;
	[tilespmem:s1+$0xFFFFF800] =	vst v14;
	v17 =	vadd.s32 $0x100, v16  }
0x12e: {  	[tilespmem:s0+$0x1200] =	vst v13;
	v14 =	vadd.s32 $0x240, v8;
	v13 =	vld.idx.msk [tilespmem:v19+s22+$0x0], $0xffff  }
0x12f: {  	v18 =	vld.idx.msk [tilespmem:v20+s22+$0x0], $0xffff;
	v19 =	vadd.s32 $0x140, v9  }
0x130: {  	v21 =	vld.idx.msk [tilespmem:v10+s22+$0x0], $0xffff;
	v20 =	vadd.s32 $0x200, v11  }
0x131: {  	v22 =	vld.idx.msk [tilespmem:v33+s22+$0x0], $0xffff;
	v23 =	vadd.s32 $0x40, v10;
	[tilespmem:s24+$0xC00] =	vst v15  }
0x132: {  	[tilespmem:s31+$0x200] =	vst v12;
	v12 =	vadd.s32 $0x40, v33;
	v15 =	vld.idx.msk [tilespmem:v17+s22+$0x0], $0xffff  }
0x133: {  	v17 =	vadd.s32 $0x140, v16;
	v14 =	vld.idx.msk [tilespmem:v14+s22+$0x0], $0xffff;
	[tilespmem:s1+$0xFFFFFA00] =	vst v13  }
0x134: {  	s26 =	simm.s32 $0x1450;
	[tilespmem:s0+$0x1400] =	vst v18;
	v13 =	vadd.s32 $0x280, v8;
	v18 =	vld.idx.msk [tilespmem:v19+s22+$0x0], $0xffff  }
0x135: {  	[tilespmem:s26+$0xFFFFF200] =	vst v21;
	v19 =	vld.idx.msk [tilespmem:v20+s22+$0x0], $0xffff;
	v20 =	vadd.s32 $0x180, v9  }
0x136: {  	[tilespmem:s26+$0xFFFFF1F0] =	vst v22;
	v21 =	vadd.s32 $0x240, v11;
	v23 =	vld.idx.msk [tilespmem:v23+s22+$0x0], $0xffff  }
0x137: {  	v24 =	vadd.s32 $0x80, v10;
	v12 =	vld.idx.msk [tilespmem:v12+s22+$0x0], $0xffff;
	[tilespmem:s24+$0xE00] =	vst v15  }
0x138: {  	[tilespmem:s31+$0x400] =	vst v14;
	v27 =	vld.idx.msk [tilespmem:v17+s22+$0x0], $0xffff  }
0x139: {  	v26 =	vadd.s32 $0x80, v33;
	v15 =	vld.idx.msk [tilespmem:v13+s22+$0x0], $0xffff;
	[tilespmem:s1+$0xFFFFFC00] =	vst v18  }
0x13a: {  	s28 =	simm.s32 $0x40;
	v34 =	vadd.s32 $0x280, v11;
	v30 =	vadd.s32 $0x180, v16;
	v25 =	vadd.s32 $0x1C0, v16;
	[tilespmem:s0+$0x1600] =	vst v19;
	v35 =	vld.idx.msk [tilespmem:v20+s22+$0x0], $0xffff  }
0x13b: {  	s29 =	sand.u32 $0x1E0, s28;
	v31 =	vadd.s32 $0xC0, v33;
	v29 =	vadd.s32 $0x100, v33;
	[tilespmem:s26+$0xFFFFF400] =	vst v23;
	v18 =	vadd.s32 $0x2C0, v8;
	v21 =	vld.idx.msk [tilespmem:v21+s22+$0x0], $0xffff  }
0x13c: {  	v28 =	vadd.s32 $0x140, v33;
	v22 =	vadd.s32 $0x200, v16;
	v23 =	vadd.s32 $0x1C0, v9;
	v38 =	vld.idx.msk [tilespmem:v24+s22+$0x0], $0xffff;
	[tilespmem:s29+$0x800] =	vst v12  }
0x13d: {  	v39 =	vadd.s32 $0xC0, v10;
	v24 =	vadd.s32 $0x240, v33;
	v17 =	vadd.s32 $0x2C0, v16;
	[tilespmem:s24+$0x1000] =	vst v27  }
0x13e: {  	v19 =	vadd.s32 $0x280, v16;
	v20 =	vadd.s32 $0x240, v16;
	v12 =	vadd.s32 $0x340, v16;
	v37 =	vld.idx.msk [tilespmem:v26+s22+$0x0], $0xffff;
	[tilespmem:s31+$0x600] =	vst v15  }
0x13f: {  	v27 =	vadd.s32 $0x180, v33;
	v26 =	vadd.s32 $0x200, v33;
	v15 =	vadd.s32 $0x300, v16;
	v36 =	vld.idx.msk [tilespmem:v30+s22+$0x0], $0xffff;
	[tilespmem:s1+$0xFFFFFE00] =	vst v35  }
0x140: {  	v30 =	vadd.s32 $0x1C0, v33;
	v16 =	vadd.s32 $0x340, v33;
	v32 =	vld.idx.msk [tilespmem:v18+s22+$0x0], $0xffff;
	[tilespmem:s0+$0x1800] =	vst v21;
	v21 =	vadd.s32 $0x280, v33  }
0x141: {  	[tilespmem:s26+$0xFFFFF600] =	vst v38;
	v18 =	vadd.s32 $0x300, v33;
	v35 =	vld.idx.msk [tilespmem:v23+s22+$0x0], $0xffff;
	v23 =	vadd.s32 $0x2C0, v33;
	v33 =	vadd.s32 $0x300, v8  }
0x142: {  	v14 =	vadd.s32 $0x2C0, v11;
	v39 =	vld.idx.msk [tilespmem:v39+s22+$0x0], $0xffff  }
0x143: {  	s25 =	simm.s32 $0x1450;
	s3 =	simm.s32 $0xF0;
	v13 =	vadd.s32 $0x300, v11;
	v11 =	vadd.s32 $0x340, v11;
	v38 =	vadd.s32 $0x200, v9;
	v34 =	vld.idx.msk [tilespmem:v34+s22+$0x0], $0xffff  }
.LBB2_2:
0x144: {  	v40 =	vld [tilespmem:s3+$0x0];
	[tilespmem:s29+$0xA00] =	vst v37;
	s4 =	smov.u32 s29  }
0x145: {  	v41 =	vadd.s32 $0x100, v10;
	v37 =	vld [tilespmem:s3+$0xFFFFFFF0];
	[tilespmem:s31+$0x800] =	vst v32  }
0x146: {  	[tilespmem:s24+$0x1200] =	vst v36;
	v32 =	vld.idx.msk [tilespmem:v33+s22+$0x0], $0xffff  }
0x147: {  	v33 =	vld.idx.msk [tilespmem:v31+s22+$0x0], $0xffff;
	[tilespmem:s1+$0x0] =	vst v35  }
0x148: {  	v35 =	vld.idx.msk [tilespmem:v38+s22+$0x0], $0xffff;
	[tilespmem:s0+$0x1A00] =	vst v34;
	v34 =	vadd.s32 $0x340, v8;
	v8 =	vmov v9;
	v9 =	vmov v10  }
0x149: {  	[tilespmem:s26+$0xFFFFF800] =	vst v39;
	v36 =	vld.idx.msk [tilespmem:v25+s22+$0x0], $0xffff;
	v10 =	vmov v40;
	v25 =	vmov v30  }
0x14a: {  	v42 =	vadd.s32 $0x240, v8;
	v38 =	vadd.s32 $0x40, v37;
	v39 =	vadd.s32 $0x80, v37;
	v41 =	vld.idx.msk [tilespmem:v41+s22+$0x0], $0xffff  }
0x14b: {  	v31 =	vadd.s32 $0xC0, v37;
	v43 =	vadd.s32 $0x100, v37;
	v44 =	vadd.s32 $0x140, v37;
	v45 =	vld.idx.msk [tilespmem:v14+s22+$0x0], $0xffff;
	v14 =	vmovc v17;
	v17 =	vmovc v23  }
0x14c: {  	v47 =	vadd.s32 $0x140, v9;
	v46 =	vadd.s32 $0x180, v37;
	v30 =	vadd.s32 $0x1C0, v37;
	v40 =	vld.idx.msk [tilespmem:v40+s22+$0x0], $0xffff;
	[tilespmem:s31+$0xA00] =	vst v32  }
0x14d: {  	v48 =	vadd.s32 $0x240, v37;
	v49 =	vadd.s32 $0x280, v37;
	v32 =	vadd.s32 $0x200, v37;
	[tilespmem:s4+$0xC00] =	vst v33;
	v33 =	vld.idx.msk [tilespmem:v34+s22+$0x0], $0xffff  }
0x14e: {  	v50 =	vadd.s32 $0x300, v37;
	v51 =	vadd.s32 $0x40, v10;
	v23 =	vadd.s32 $0x2C0, v37;
	v34 =	vld.idx.msk [tilespmem:v37+s22+$0x0], $0xffff;
	[tilespmem:s1+$0x200] =	vst v35  }
0x14f: {  	v35 =	vadd.s32 $0x340, v37;
	[tilespmem:s24+$0x1400] =	vst v36;
	v36 =	vld.idx.msk [tilespmem:v42+s22+$0x0], $0xffff  }
0x150: {  	v37 =	vld.idx.msk [tilespmem:v29+s22+$0x0], $0xffff;
	[tilespmem:s26+$0xFFFFFA00] =	vst v41;
	v29 =	vmov v43  }
0x151: {  	v42 =	vadd.s32 $0x280, v8;
	s26 =	sadd.s32 $0x20, s26;
	v41 =	vld.idx.msk [tilespmem:v47+s22+$0x0], $0xffff;
	[tilespmem:s0+$0x1C00] =	vst v45  }
0x152: {  	[tilespmem:s26+$0xFFFFF200] =	vst v40;
	v40 =	vld.idx.msk [tilespmem:v22+s22+$0x0], $0xffff;
	v22 =	vmov v26;
	v26 =	vmov v32  }
0x153: {  	v43 =	vadd.s32 $0x180, v9;
	v32 =	vld.idx.msk [tilespmem:v51+s22+$0x0], $0xffff;
	[tilespmem:s31+$0xC00] =	vst v33;
	s31 =	smov.u32 s1;
	s1 =	smov.u32 s25;
	s25 =	smov.u32 s26  }
0x154: {  	[tilespmem:s26+$0xFFFFF1F0] =	vst v34;
	v33 =	vld.idx.msk [tilespmem:v13+s22+$0x0], $0xffff;
	v13 =	vmov v15;
	v15 =	vmov v18;
	v18 =	vmov v50  }
0x155: {  	v34 =	vld.idx.msk [tilespmem:v38+s22+$0x0], $0xffff;
	v38 =	vadd.s32 $0x80, v10;
	[tilespmem:s31+$0x400] =	vst v36  }
0x156: {  	[tilespmem:s4+$0xE00] =	vst v37;
	v36 =	vld.idx.msk [tilespmem:v42+s22+$0x0], $0xffff  }
0x157: {  	v42 =	vld.idx.msk [tilespmem:v28+s22+$0x0], $0xffff;
	[tilespmem:s1+$0xFFFFFC00] =	vst v41;
	v28 =	vmov v44  }
0x158: {  	v41 =	vld.idx.msk [tilespmem:v43+s22+$0x0], $0xffff;
	[tilespmem:s24+$0x1600] =	vst v40;
	v40 =	vadd.s32 $0x2C0, v8  }
0x159: {  	s28 =	sadd.s32 $0x20, s28;
	[tilespmem:s26+$0xFFFFF400] =	vst v32;
	v43 =	vld.idx.msk [tilespmem:v20+s22+$0x0], $0xffff;
	v20 =	vmov v24;
	v24 =	vmov v48  }
0x15a: {  	s29 =	sand.u32 $0x1E0, s28;
	p0 =	slt.u32 s28, $0x1E0;
	v44 =	vadd.s32 $0x1C0, v9;
	v38 =	vld.idx.msk [tilespmem:v38+s22+$0x0], $0xffff;
	[tilespmem:s0+$0x1E00] =	vst v33  }
0x15b: {  	[tilespmem:s29+$0x800] =	vst v34;
	v45 =	vld.idx.msk [tilespmem:v11+s22+$0x0], $0xffff;
	v11 =	vmov v12;
	v12 =	vmov v16;
	v16 =	vmov v35  }
0x15c: {  	v37 =	vld.idx.msk [tilespmem:v39+s22+$0x0], $0xffff;
	v39 =	vadd.s32 $0xC0, v10;
	[tilespmem:s31+$0x600] =	vst v36  }
.Ltmp0:
0x15d: {  	[tilespmem:s4+$0x1000] =	vst v42;
	v32 =	vld.idx.msk [tilespmem:v40+s22+$0x0], $0xffff;
	(pc) =	sbr.rel @p0 .LBB2_2-.Ltmp0, $4  }
0x15e: {  	v36 =	vld.idx.msk [tilespmem:v27+s22+$0x0], $0xffff;
	[tilespmem:s1+$0xFFFFFE00] =	vst v41;
	v27 =	vmov v46  }
0x15f: {  	v33 =	vadd.s32 $0x300, v8;
	v35 =	vld.idx.msk [tilespmem:v44+s22+$0x0], $0xffff;
	[tilespmem:s24+$0x1800] =	vst v43  }
0x160: {  	[tilespmem:s26+$0xFFFFF600] =	vst v38;
	v34 =	vld.idx.msk [tilespmem:v19+s22+$0x0], $0xffff;
	v19 =	vmov v21;
	v21 =	vmov v49  }
0x161: {  	s3 =	sadd.s32 $0x20, s3;
	v38 =	vadd.s32 $0x200, v9;
	v39 =	vld.idx.msk [tilespmem:v39+s22+$0x0], $0xffff;
	[tilespmem:s0+$0x2000] =	vst v45;
	s0 =	smov.u32 s24;
	s24 =	smov.u32 s4  }
0x162: {  	_ =	sdelay $0x2  }
0x163: {  	[tilespmem:s29+$0xA00] =	vst v37  }
0x164: {  	v42 =	vadd.s32 $0x100, v10;
	v31 =	vld.idx.msk [tilespmem:v31+s22+$0x0], $0xffff;
	_ =	sdelay $0x3  }
0x165: {  	[tilespmem:s26+$0xFFFFF800] =	vst v39  }
0x166: {  	v37 =	vld.idx.msk [tilespmem:v42+s22+$0x0], $0xffff;
	[tilespmem:s29+$0xC00] =	vst v31  }
0x167: {  	v43 =	vadd.s32 $0x140, v10;
	v29 =	vld.idx.msk [tilespmem:v29+s22+$0x0], $0xffff;
	_ =	sdelay $0x3  }
0x168: {  	[tilespmem:s26+$0xFFFFFA00] =	vst v37  }
0x169: {  	v31 =	vld.idx.msk [tilespmem:v43+s22+$0x0], $0xffff;
	[tilespmem:s29+$0xE00] =	vst v29  }
0x16a: {  	v44 =	vadd.s32 $0x180, v10;
	v28 =	vld.idx.msk [tilespmem:v28+s22+$0x0], $0xffff;
	_ =	sdelay $0x3  }
0x16b: {  	[tilespmem:s25+$0xFFFFFC00] =	vst v31  }
0x16c: {  	v29 =	vld.idx.msk [tilespmem:v44+s22+$0x0], $0xffff;
	[tilespmem:s29+$0x1000] =	vst v28  }
0x16d: {  	v45 =	vadd.s32 $0x1C0, v10;
	v27 =	vld.idx.msk [tilespmem:v27+s22+$0x0], $0xffff;
	_ =	sdelay $0x2  }
0x16e: {  	[tilespmem:s24+$0x1200] =	vst v36  }
0x16f: {  	v25 =	vld.idx.msk [tilespmem:v25+s22+$0x0], $0xffff;
	[tilespmem:s25+$0xFFFFFE00] =	vst v29  }
0x170: {  	v28 =	vld.idx.msk [tilespmem:v45+s22+$0x0], $0xffff;
	[tilespmem:s29+$0x1200] =	vst v27  }
0x171: {  	v46 =	vadd.s32 $0x200, v10;
	v47 =	vld.idx.msk [tilespmem:v30+s22+$0x0], $0xffff;
	_ =	sdelay $0x1  }
0x172: {  	[tilespmem:s1+$0x0] =	vst v35  }
0x173: {  	v48 =	vld.idx.msk [tilespmem:v38+s22+$0x0], $0xffff;
	[tilespmem:s24+$0x1400] =	vst v25  }
0x174: {  	v49 =	vadd.s32 $0x240, v9;
	v22 =	vld.idx.msk [tilespmem:v22+s22+$0x0], $0xffff;
	[tilespmem:s25+$0x0] =	vst v28  }
0x175: {  	v27 =	vld.idx.msk [tilespmem:v46+s22+$0x0], $0xffff;
	[tilespmem:s29+$0x1400] =	vst v47  }
0x176: {  	v50 =	vadd.s32 $0x240, v10;
	v26 =	vld.idx.msk [tilespmem:v26+s22+$0x0], $0xffff;
	_ =	sdelay $0x1  }
0x177: {  	[tilespmem:s1+$0x200] =	vst v48  }
0x178: {  	v25 =	vld.idx.msk [tilespmem:v49+s22+$0x0], $0xffff;
	[tilespmem:s24+$0x1600] =	vst v22  }
0x179: {  	v51 =	vadd.s32 $0x280, v9;
	v20 =	vld.idx.msk [tilespmem:v20+s22+$0x0], $0xffff;
	[tilespmem:s25+$0x200] =	vst v27  }
0x17a: {  	v27 =	vld.idx.msk [tilespmem:v50+s22+$0x0], $0xffff;
	[tilespmem:s29+$0x1600] =	vst v26  }
0x17b: {  	v52 =	vadd.s32 $0x280, v10;
	v24 =	vld.idx.msk [tilespmem:v24+s22+$0x0], $0xffff;
	_ =	sdelay $0x1  }
0x17c: {  	[tilespmem:s1+$0x400] =	vst v25  }
0x17d: {  	v22 =	vld.idx.msk [tilespmem:v51+s22+$0x0], $0xffff;
	[tilespmem:s24+$0x1800] =	vst v20  }
0x17e: {  	v53 =	vadd.s32 $0x2C0, v9;
	v19 =	vld.idx.msk [tilespmem:v19+s22+$0x0], $0xffff;
	[tilespmem:s25+$0x400] =	vst v27  }
0x17f: {  	v54 =	vld.idx.msk [tilespmem:v52+s22+$0x0], $0xffff;
	[tilespmem:s29+$0x1800] =	vst v24  }
0x180: {  	v55 =	vadd.s32 $0x2C0, v10;
	v21 =	vld.idx.msk [tilespmem:v21+s22+$0x0], $0xffff  }
0x181: {  	[tilespmem:s0+$0x1A00] =	vst v34  }
0x182: {  	v14 =	vld.idx.msk [tilespmem:v14+s22+$0x0], $0xffff;
	[tilespmem:s1+$0x600] =	vst v22  }
0x183: {  	v20 =	vld.idx.msk [tilespmem:v53+s22+$0x0], $0xffff;
	[tilespmem:s24+$0x1A00] =	vst v19  }
0x184: {  	v56 =	vadd.s32 $0x300, v9;
	v17 =	vld.idx.msk [tilespmem:v17+s22+$0x0], $0xffff;
	[tilespmem:s25+$0x600] =	vst v54  }
0x185: {  	v57 =	vld.idx.msk [tilespmem:v55+s22+$0x0], $0xffff;
	[tilespmem:s29+$0x1A00] =	vst v21  }
0x186: {  	[tilespmem:s31+$0x800] =	vst v32;
	v58 =	vadd.s32 $0x300, v10;
	v23 =	vld.idx.msk [tilespmem:v23+s22+$0x0], $0xffff  }
0x187: {  	v59 =	vld.idx.msk [tilespmem:v33+s22+$0x0], $0xffff;
	[tilespmem:s0+$0x1C00] =	vst v14  }
0x188: {  	v8 =	vadd.s32 $0x340, v8;
	v13 =	vld.idx.msk [tilespmem:v13+s22+$0x0], $0xffff;
	[tilespmem:s1+$0x800] =	vst v20  }
0x189: {  	v60 =	vld.idx.msk [tilespmem:v56+s22+$0x0], $0xffff;
	[tilespmem:s24+$0x1C00] =	vst v17  }
0x18a: {  	v61 =	vadd.s32 $0x340, v9;
	v15 =	vld.idx.msk [tilespmem:v15+s22+$0x0], $0xffff;
	[tilespmem:s25+$0x800] =	vst v57  }
0x18b: {  	v62 =	vld.idx.msk [tilespmem:v58+s22+$0x0], $0xffff;
	[tilespmem:s29+$0x1C00] =	vst v23  }
0x18c: {  	v63 =	vadd.s32 $0x340, v10;
	[tilespmem:s31+$0xA00] =	vst v59;
	v18 =	vld.idx.msk [tilespmem:v18+s22+$0x0], $0xffff  }
0x18d: {  	v8 =	vld.idx.msk [tilespmem:v8+s22+$0x0], $0xffff;
	[tilespmem:s0+$0x1E00] =	vst v13  }
0x18e: {  	v11 =	vld.idx.msk [tilespmem:v11+s22+$0x0], $0xffff;
	[tilespmem:s1+$0xA00] =	vst v60  }
0x18f: {  	v9 =	vld.idx.msk [tilespmem:v61+s22+$0x0], $0xffff;
	[tilespmem:s24+$0x1E00] =	vst v15  }
0x190: {  	v12 =	vld.idx.msk [tilespmem:v12+s22+$0x0], $0xffff;
	[tilespmem:s25+$0xA00] =	vst v62  }
0x191: {  	v10 =	vld.idx.msk [tilespmem:v63+s22+$0x0], $0xffff;
	[tilespmem:s29+$0x1E00] =	vst v18  }
0x192: {  	[tilespmem:s31+$0xC00] =	vst v8;
	v8 =	vld.idx.msk [tilespmem:v16+s22+$0x0], $0xffff  }
0x193: {  	[tilespmem:s0+$0x2000] =	vst v11  }
0x194: {  	[tilespmem:s1+$0xC00] =	vst v9  }
0x195: {  	[tilespmem:s24+$0x2000] =	vst v12  }
0x196: {  	[tilespmem:s25+$0xC00] =	vst v10  }
0x197: {  	s25 =	simm.s32 $0x600;
	[tilespmem:s29+$0x2000] =	vst v8  }
0x198: {  	[hbm4b:s5+s21] =	stream.strided.scatter [tilespmem:s25], [sflag:$0x1], $0x200, s23, s21, $0x38;
	[tilespmem:$0x2200] =	vst v63  }
0x199: {  	_ =	swait.ge [sflag:s20], $0x200  }
0x19a: {  	[sflag:s20] =	ssyncset.done $0x0  }
0x19b: {  	s26 =	simm.s32 $0x800;
	[sflag:s20] =	ssyncadd.s32 $0xFFFFFE00  }
0x19c: {  	[hbm4b:s6+s21] =	stream.strided.scatter [tilespmem:s26], [sflag:$0x1], $0x200, s23, s21, $0x38;
	[tilespmem:$0x2200] =	vst v63  }
0x19d: {  	_ =	swait.ge [sflag:s20], $0x200  }
0x19e: {  	[sflag:s20] =	ssyncset.done $0x0  }
0x19f: {  	s28 =	simm.s32 $0xA00;
	[sflag:s20] =	ssyncadd.s32 $0xFFFFFE00  }
0x1a0: {  	[hbm4b:s7+s21] =	stream.strided.scatter [tilespmem:s28], [sflag:$0x1], $0x200, s23, s21, $0x38;
	[tilespmem:$0x2200] =	vst v63  }
0x1a1: {  	_ =	swait.ge [sflag:s20], $0x200  }
0x1a2: {  	[sflag:s20] =	ssyncset.done $0x0  }
0x1a3: {  	s29 =	simm.s32 $0xC00;
	[sflag:s20] =	ssyncadd.s32 $0xFFFFFE00  }
0x1a4: {  	[hbm4b:s9+s21] =	stream.strided.scatter [tilespmem:s29], [sflag:$0x1], $0x200, s23, s21, $0x38;
	[tilespmem:$0x2200] =	vst v63  }
0x1a5: {  	_ =	swait.ge [sflag:s20], $0x200  }
0x1a6: {  	[sflag:s20] =	ssyncset.done $0x0  }
0x1a7: {  	s31 =	simm.s32 $0xE00;
	[sflag:s20] =	ssyncadd.s32 $0xFFFFFE00  }
0x1a8: {  	[hbm4b:s10+s21] =	stream.strided.scatter [tilespmem:s31], [sflag:$0x1], $0x200, s23, s21, $0x38;
	[tilespmem:$0x2200] =	vst v63  }
0x1a9: {  	_ =	swait.ge [sflag:s20], $0x200  }
0x1aa: {  	[sflag:s20] =	ssyncset.done $0x0  }
0x1ab: {  	s1 =	simm.s32 $0x1000;
	[sflag:s20] =	ssyncadd.s32 $0xFFFFFE00  }
0x1ac: {  	[hbm4b:s8+s21] =	stream.strided.scatter [tilespmem:s1], [sflag:$0x1], $0x200, s23, s21, $0x38;
	[tilespmem:$0x2200] =	vst v63  }
0x1ad: {  	_ =	swait.ge [sflag:s20], $0x200  }
0x1ae: {  	[sflag:s20] =	ssyncset.done $0x0  }
0x1af: {  	s3 =	simm.s32 $0x1200;
	[sflag:s20] =	ssyncadd.s32 $0xFFFFFE00  }
0x1b0: {  	[hbm4b:s11+s21] =	stream.strided.scatter [tilespmem:s3], [sflag:$0x1], $0x200, s23, s21, $0x38;
	[tilespmem:$0x2200] =	vst v63  }
0x1b1: {  	_ =	swait.ge [sflag:s20], $0x200  }
0x1b2: {  	[sflag:s20] =	ssyncset.done $0x0  }
0x1b3: {  	s4 =	simm.s32 $0x1400;
	[sflag:s20] =	ssyncadd.s32 $0xFFFFFE00  }
0x1b4: {  	[hbm4b:s12+s21] =	stream.strided.scatter [tilespmem:s4], [sflag:$0x1], $0x200, s23, s21, $0x38;
	[tilespmem:$0x2200] =	vst v63  }
0x1b5: {  	_ =	swait.ge [sflag:s20], $0x200  }
0x1b6: {  	[sflag:s20] =	ssyncset.done $0x0  }
0x1b7: {  	s24 =	simm.s32 $0x1600;
	[sflag:s20] =	ssyncadd.s32 $0xFFFFFE00  }
0x1b8: {  	[hbm4b:s13+s21] =	stream.strided.scatter [tilespmem:s24], [sflag:$0x1], $0x200, s23, s21, $0x38;
	[tilespmem:$0x2200] =	vst v63  }
0x1b9: {  	_ =	swait.ge [sflag:s20], $0x200  }
0x1ba: {  	[sflag:s20] =	ssyncset.done $0x0  }
0x1bb: {  	s25 =	simm.s32 $0x1800;
	[sflag:s20] =	ssyncadd.s32 $0xFFFFFE00  }
0x1bc: {  	[hbm4b:s14+s21] =	stream.strided.scatter [tilespmem:s25], [sflag:$0x1], $0x200, s23, s21, $0x38;
	[tilespmem:$0x2200] =	vst v63  }
0x1bd: {  	_ =	swait.ge [sflag:s20], $0x200  }
0x1be: {  	[sflag:s20] =	ssyncset.done $0x0  }
0x1bf: {  	s26 =	simm.s32 $0x1A00;
	[sflag:s20] =	ssyncadd.s32 $0xFFFFFE00  }
0x1c0: {  	[hbm4b:s15+s21] =	stream.strided.scatter [tilespmem:s26], [sflag:$0x1], $0x200, s23, s21, $0x38;
	[tilespmem:$0x2200] =	vst v63  }
0x1c1: {  	_ =	swait.ge [sflag:s20], $0x200  }
0x1c2: {  	[sflag:s20] =	ssyncset.done $0x0  }
0x1c3: {  	s28 =	simm.s32 $0x1C00;
	[sflag:s20] =	ssyncadd.s32 $0xFFFFFE00  }
0x1c4: {  	[hbm4b:s16+s21] =	stream.strided.scatter [tilespmem:s28], [sflag:$0x1], $0x200, s23, s21, $0x38;
	[tilespmem:$0x2200] =	vst v63  }
0x1c5: {  	_ =	swait.ge [sflag:s20], $0x200  }
0x1c6: {  	[sflag:s20] =	ssyncset.done $0x0  }
0x1c7: {  	s29 =	simm.s32 $0x1E00;
	[sflag:s20] =	ssyncadd.s32 $0xFFFFFE00  }
0x1c8: {  	[hbm4b:s17+s21] =	stream.strided.scatter [tilespmem:s29], [sflag:$0x1], $0x200, s23, s21, $0x38;
	[tilespmem:$0x2200] =	vst v63  }
0x1c9: {  	s30 =	sadd.s32 $0x1, s30;
	_ =	swait.ge [sflag:s20], $0x200  }
0x1ca: {  	p0 =	sne.s32 s30, s19;
	[sflag:s20] =	ssyncset.done $0x0  }
.Ltmp1:
0x1cb: {  	s31 =	simm.s32 $0x2000;
	[sflag:s20] =	ssyncadd.s32 $0xFFFFFE00;
	(pc) =	sbr.rel @p0 .LBB2_1-.Ltmp1, $4  }
0x1cc: {  	[hbm4b:s18+s21] =	stream.strided.scatter [tilespmem:s31], [sflag:$0x1], $0x200, s23, s21, $0x38;
	[tilespmem:$0x2200] =	vst v63  }
0x1cd: {  	_ =	swait.ge [sflag:s20], $0x200  }
0x1ce: {  	[sflag:s20] =	ssyncset.done $0x0  }
0x1cf: {  	[sflag:s20] =	ssyncadd.s32 $0xFFFFFE00  }
0x1d0: {  	_ =	sfence.sel $0x180000  }
0x1d1: {  	[bflag:$0x0] =	sbarrier.arrive $0xFFFF  }
0x1d2: {  	_ =	strace $0x90000047  }
0x1d3: {  	s0 =	stileid.u32;
	[bflag:$0x2] =	sbarrier.arrive $0xFFFF  }
0x1d4: {  	p0 =	sne.s32 s0, $0x0;
	s0 =	rddreg [dreg:$0x2]  }
0x1d5: {  	s0 =	sadd.s32 @!p0 $0x100000, s0  }
0x1d6: {  	[sflag:s0] =	ssyncadd.tile.s32 @!p0 $0x1;
	_ =	shalt  }
.Lfunc_end2:
_tile_overlayer_lowered:
.L_overlay_start_2:
0x1d7: {  	(tag) =	ssettag $0x2  }
0x1d8: {  	s0 =	rddreg [dreg:$0x0];
	s2 =	stileid.u32  }
0x1d9: {  	s1 =	rddreg [dreg:$0x1];
	p0 =	sne.s32 s2, $0x0  }
0x1da: {  	s3 =	rddreg [dreg:$0x2];
	[bflag:$0x3] =	sbarrier.arrive $0xFFFF;
	s2 =	simm.s32 @!p0 $0x1C01  }
0x1db: {  	[timem:s3], [sflag:s2] =	dma.local @!p0 [hbm:s0], s1  }
0x1dc: {  	s0 =	simm.s32 @!p0 $0x1  }
0x1dd: {  	_ =	swait.ge @!p0 [sflag:s0], s1  }
0x1de: {  	s1 =	ssub.s32 @!p0 $0x0, s1;
	[sflag:s0] =	ssyncset.done @!p0 $0x0  }
0x1df: {  	[sflag:s0] =	ssyncadd.s32 @!p0 s1  }
0x1e0: {  	[bflag:$0x3] =	sbarrier.arrive $0xFFFF  }
0x1e1: {  	_ =	shalt  }

</sc_bundles>
